<compile_context>
chip_gen: v7x
topology: tpu7x:2x2x1
jax: 0.10.2.dev20260603
libtpu: 0.0.44.dev20260713+nightly
codegen_flags: <defaults>
</compile_context>

<pallas_src>
import functools
import jax
import jax.numpy as jnp
from jax import lax
from jax.experimental import pallas as pl
from jax.experimental.pallas import tpu as pltpu
from jax.experimental.pallas import tpu_sc as plsc

N = 10000
E = 320000
DIN = 128
DOUT = 64
WOUT = 2 * DOUT

NC = 2
NS = 16
NW = NC * NS
EPT = E // NW
CHUNK = 128
NFC = EPT // CHUNK
TAIL = EPT - NFC * CHUNK
NPAD = 10240
RPT = NPAD // NS

_MESH = plsc.VectorSubcoreMesh(
    core_axis_name="c", subcore_axis_name="s", num_cores=NC, num_subcores=NS
)


@functools.partial(
    pl.kernel,
    out_type=jax.ShapeDtypeStruct((NC * NPAD,), jnp.float32),
    mesh=_MESH,
    compiler_params=pltpu.CompilerParams(use_tc_tiling_on_sc=False),
    scratch_types=[
        pltpu.VMEM_SHARED((NPAD,), jnp.float32),
        pltpu.VMEM((EPT,), jnp.int32),
        pltpu.VMEM((CHUNK,), jnp.float32),
        pltpu.VMEM((RPT,), jnp.float32),
        pltpu.SemaphoreType.DMA,
        pltpu.SemaphoreType.DMA,
    ],
)
def _deg_kernel(dst_hbm, deg_out, deg_sh, idx_v, ones_v, zbuf, semA, semB):
    cid = lax.axis_index("c")
    sid = lax.axis_index("s")
    wid = sid * NC + cid

    zeros16 = jnp.zeros((16,), jnp.float32)
    for i in range(RPT // 16):
        zbuf[pl.ds(i * 16, 16)] = zeros16
    for i in range(CHUNK // 16):
        ones_v[pl.ds(i * 16, 16)] = jnp.ones((16,), jnp.float32)
    pltpu.sync_copy(zbuf, deg_sh.at[pl.ds(sid * RPT, RPT)])
    pltpu.sync_copy(dst_hbm.at[pl.ds(wid * EPT, EPT)], idx_v)
    plsc.subcore_barrier()

    sems = [semA, semB]

    def body(i, carry):
        j0 = 2 * i
        for u in range(2):
            j = j0 + u

            @pl.when(j >= 2)
            def _():
                pltpu.make_async_copy(
                    ones_v,
                    deg_sh.at[idx_v.at[pl.ds((j - 2) * CHUNK, CHUNK)]],
                    sems[u],
                ).wait()

            pltpu.async_copy(
                ones_v,
                deg_sh.at[idx_v.at[pl.ds(j * CHUNK, CHUNK)]],
                sems[u],
                add=True,
            )
        return carry

    lax.fori_loop(0, NFC // 2, body, 0)
    for u in range(2):
        pltpu.make_async_copy(
            ones_v,
            deg_sh.at[idx_v.at[pl.ds((NFC - 2 + u) * CHUNK, CHUNK)]],
            sems[u],
        ).wait()
    pltpu.sync_copy(
        ones_v.at[pl.ds(0, TAIL)],
        deg_sh.at[idx_v.at[pl.ds(NFC * CHUNK, TAIL)]],
        add=True,
    )
    plsc.subcore_barrier()
    pltpu.sync_copy(
        deg_sh.at[pl.ds(sid * RPT, RPT)],
        deg_out.at[pl.ds(cid * NPAD + sid * RPT, RPT)],
    )


def _proj_body(x_ref, wt_ref, norm_ref, z_ref):
    y = jnp.dot(x_ref[...], wt_ref[...], preferred_element_type=jnp.float32)
    z_ref[:N, :DOUT] = y * norm_ref[:N, :]


def _project(x, wt, norm2d):
    return pl.pallas_call(
        _proj_body,
        out_shape=jax.ShapeDtypeStruct((NPAD, WOUT), jnp.float32),
    )(x, wt, norm2d)


@functools.partial(
    pl.kernel,
    out_type=jax.ShapeDtypeStruct((NPAD, WOUT), jnp.float32),
    mesh=_MESH,
    compiler_params=pltpu.CompilerParams(use_tc_tiling_on_sc=False),
    scratch_types=[
        pltpu.VMEM_SHARED((NPAD, DOUT), jnp.float32),
        pltpu.VMEM_SHARED((NPAD, DOUT), jnp.float32),
        pltpu.VMEM((EPT,), jnp.int32),
        pltpu.VMEM((EPT,), jnp.int32),
        pltpu.VMEM((3, CHUNK, DOUT), jnp.float32),
        pltpu.VMEM((32, DOUT), jnp.float32),
        pltpu.SemaphoreType.DMA,
        pltpu.SemaphoreType.DMA,
        pltpu.SemaphoreType.DMA,
        pltpu.SemaphoreType.DMA,
        pltpu.SemaphoreType.DMA,
        pltpu.SemaphoreType.DMA,
        pltpu.SemaphoreType.DMA,
    ],
)
def _prop_kernel(src_hbm, dst_hbm, z_hbm, out_hbm,
                 acc_sh, z_sh, src_v, dst_v, rows_v, zbuf,
                 gsem0, gsem1, gsem2, ssem0, ssem1, ssem2, sem2):
    cid = lax.axis_index("c")
    sid = lax.axis_index("s")
    wid = sid * NC + cid

    def zrow(r, carry):
        for cblk in range(DOUT // 16):
            zbuf[r, pl.ds(cblk * 16, 16)] = jnp.zeros((16,), jnp.float32)
        return carry

    lax.fori_loop(0, 32, zrow, 0)
    zcp = pltpu.async_copy(
        z_hbm.at[pl.ds(sid * RPT, RPT), pl.ds(0, DOUT)],
        z_sh.at[pl.ds(sid * RPT, RPT)],
        sem2,
    )
    for kblk in range(RPT // 32):
        pltpu.sync_copy(zbuf, acc_sh.at[pl.ds(sid * RPT + kblk * 32, 32)])
    pltpu.sync_copy(src_hbm.at[pl.ds(wid * EPT, EPT)], src_v)
    pltpu.sync_copy(dst_hbm.at[pl.ds(wid * EPT, EPT)], dst_v)
    zcp.wait()
    plsc.subcore_barrier()

    gsems = [gsem0, gsem1, gsem2]
    ssems = [ssem0, ssem1, ssem2]

    def _gather(j, b):
        pltpu.async_copy(
            z_sh.at[src_v.at[pl.ds(j * CHUNK, CHUNK)]], rows_v.at[b], gsems[b]
        )

    def _gather_wait(j, b):
        pltpu.make_async_copy(
            z_sh.at[src_v.at[pl.ds(j * CHUNK, CHUNK)]], rows_v.at[b], gsems[b]
        ).wait()

    def _scatter(j, b):
        pltpu.async_copy(
            rows_v.at[b],
            acc_sh.at[dst_v.at[pl.ds(j * CHUNK, CHUNK)]],
            ssems[b],
            add=True,
        )

    def _scatter_wait(j, b):
        pltpu.make_async_copy(
            rows_v.at[b],
            acc_sh.at[dst_v.at[pl.ds(j * CHUNK, CHUNK)]],
            ssems[b],
        ).wait()

    _gather(0, 0)

    def body(i, carry):
        j0 = 3 * i
        for u in range(3):
            j = j0 + u
            bn = (u + 1) % 3

            @pl.when(j + 1 < NFC)
            def _():
                @pl.when(j >= 2)
                def _():
                    _scatter_wait(j - 2, bn)

                _gather(j + 1, bn)

            _gather_wait(j, u)
            _scatter(j, u)
        return carry

    lax.fori_loop(0, NFC // 3, body, 0)
    for u in range(3):
        _scatter_wait(NFC - 3 + u, u)
    pltpu.async_copy(
        z_sh.at[src_v.at[pl.ds(NFC * CHUNK, TAIL)]],
        rows_v.at[0, pl.ds(0, TAIL)],
        gsems[0],
    ).wait()
    pltpu.sync_copy(
        rows_v.at[0, pl.ds(0, TAIL)],
        acc_sh.at[dst_v.at[pl.ds(NFC * CHUNK, TAIL)]],
        add=True,
    )
    plsc.subcore_barrier()
    pltpu.sync_copy(
        acc_sh.at[pl.ds(sid * RPT, RPT)],
        out_hbm.at[pl.ds(sid * RPT, RPT), pl.ds(cid * DOUT, DOUT)],
    )


def _out_body(p_ref, norm_ref, b_ref, o_ref):
    s = p_ref[:N, :DOUT] + p_ref[:N, DOUT:]
    o_ref[...] = s * norm_ref[...] + b_ref[...]


def _combine(parts, norm2d, b2d):
    return pl.pallas_call(
        _out_body,
        out_shape=jax.ShapeDtypeStruct((N, DOUT), jnp.float32),
    )(parts, norm2d, b2d)


def kernel(features, edge_index, W, b):
    src1 = edge_index[0]
    dst1 = edge_index[1]

    deg_parts = _deg_kernel(dst1)
    deg = deg_parts[:NPAD] + deg_parts[NPAD:]
    norm_full = lax.rsqrt(jnp.maximum(deg, 1.0)).reshape(NPAD, 1)
    norm2d = norm_full[:N]

    z = _project(features, W.T, norm_full)
    parts = _prop_kernel(src1, dst1, z)
    out = _combine(parts, norm2d, b.reshape(1, DOUT))
    return out

# --- scband reference (transcript-rebuilt; emitter-appended) ---
"""Pipeline reference for scband-sgcmodel-76149770158507 (READ-ONLY COPY).

The authoritative reference and input builder live on the scoring server;
editing this copy changes nothing except your own understanding.
"""

import jax, jax.numpy as jnp
import numpy as np

N_NODES = 10000
N_EDGES = 320000
D_FEAT = 128
N_CLASSES = 64


def setup_inputs(seed: int = 0) -> dict:
    key = jax.random.key(seed)
    k1, k2, k3, k4 = jax.random.split(key, 4)
    features = jax.random.normal(k1, (N_NODES, D_FEAT), dtype=jnp.float32)
    edge_index = jax.random.randint(k2, (2, N_EDGES), 0, N_NODES, dtype=jnp.int32)
    # Learned params of SGConv's internal Linear(in_feats, num_classes)
    W = jax.random.normal(k3, (N_CLASSES, D_FEAT), dtype=jnp.float32) * (1.0 / np.sqrt(D_FEAT))
    b = jax.random.normal(k4, (N_CLASSES,), dtype=jnp.float32) * 0.01
    return {"features": features, "edge_index": edge_index, "W": W, "b": b}


def reference(features, edge_index, W, b):
    # DGL SGConv with k=1, norm='both', cached=False:
    #   degs = g.in_degrees().clamp(min=1); norm = degs ** -0.5
    #   feat = feat * norm ; aggregate copy_u/sum ; feat = feat * norm ; fc(feat)
    src = edge_index[0]
    dst = edge_index[1]
    n = features.shape[0]
    deg = jnp.zeros((n,), dtype=features.dtype).at[dst].add(1.0)
    deg = jnp.clip(deg, 1.0, None)
    norm = deg ** (-0.5)
    h = features * norm[:, None]
    msgs = jnp.take(h, src, axis=0)
    agg = jax.ops.segment_sum(msgs, dst, num_segments=n)
    agg = agg * norm[:, None]
    out = agg @ W.T + b
    return out

if __name__ == "__main__":
    import jax
    _d = setup_inputs()
    print(jax.jit(kernel)(*tuple(_d.values())))

</pallas_src>

<mosaic_0001>
#map = affine_map<(d0, d1) -> (0)>
module attributes {stable_mosaic.version = 14 : i64} {
  func.func @_deg_kernel(%arg0: i32, %arg1: i32, %arg2: memref<320000xi32, #tpu.memory_space<hbm>>, %arg3: memref<20480xf32, #tpu.memory_space<hbm>>, %arg4: memref<10240xf32, #tpu.memory_space<vmem_shared>>, %arg5: memref<10000xi32, #tpu.memory_space<vmem>>, %arg6: memref<128xf32, #tpu.memory_space<vmem>>, %arg7: memref<640xf32, #tpu.memory_space<vmem>>, %arg8: memref<!tpu.dma_semaphore, #tpu.memory_space<semaphore_mem>>, %arg9: memref<!tpu.dma_semaphore, #tpu.memory_space<semaphore_mem>>) attributes {dimension_semantics = [#tpu.dimension_semantics<core_parallel>, #tpu.dimension_semantics<subcore_parallel>], iteration_bounds = array<i64: 2, 16>, scalar_prefetch = 0 : i64, scratch_operands = 6 : i64, tpu.core_type = #tpu.core_type<sc_vector_subcore>, window_params = [{transform_indices = #map}, {transform_indices = #map}]} {
    %mul3A = arith.constant 2 : i32
    %mul3A_0 = arith.muli %arg1, %mul3A : i32
    %add3A = arith.addi %mul3A_0, %arg0 : i32
    %broadcast_in_dim3A = arith.constant 0.000000e+00 : f32
    %broadcast_in_dim3A_1 = vector.broadcast %broadcast_in_dim3A : f32 to vector<16xf32>
    %swap3A = arith.constant 0 : index
    %swap3A_2 = tpu.vector_load %arg7[%swap3A] {strides = array<i32>} : memref<640xf32, #tpu.memory_space<vmem>>, vector<16xf32>,
    %swap3A_3 = vector.shape_cast %swap3A_2 : vector<16xf32> to vector<16xf32>
    %swap3A_4 = vector.shape_cast %broadcast_in_dim3A_1 : vector<16xf32> to vector<16xf32>
    tpu.vector_store %arg7[%swap3A], %swap3A_4 {strides = array<i32>} : memref<640xf32, #tpu.memory_space<vmem>>, vector<16xf32>,
    %swap3A_5 = arith.constant 16 : index
    %swap3A_6 = tpu.vector_load %arg7[%swap3A_5] {strides = array<i32>} : memref<640xf32, #tpu.memory_space<vmem>>, vector<16xf32>,
    %swap3A_7 = vector.shape_cast %swap3A_6 : vector<16xf32> to vector<16xf32>
    %swap3A_8 = vector.shape_cast %broadcast_in_dim3A_1 : vector<16xf32> to vector<16xf32>
    tpu.vector_store %arg7[%swap3A_5], %swap3A_8 {strides = array<i32>} : memref<640xf32, #tpu.memory_space<vmem>>, vector<16xf32>,
    %swap3A_9 = arith.constant 32 : index
    %swap3A_10 = tpu.vector_load %arg7[%swap3A_9] {strides = array<i32>} : memref<640xf32, #tpu.memory_space<vmem>>, vector<16xf32>,
    %swap3A_11 = vector.shape_cast %swap3A_10 : vector<16xf32> to vector<16xf32>
    %swap3A_12 = vector.shape_cast %broadcast_in_dim3A_1 : vector<16xf32> to vector<16xf32>
    tpu.vector_store %arg7[%swap3A_9], %swap3A_12 {strides = array<i32>} : memref<640xf32, #tpu.memory_space<vmem>>, vector<16xf32>,
    %swap3A_13 = arith.constant 48 : index
    %swap3A_14 = tpu.vector_load %arg7[%swap3A_13] {strides = array<i32>} : memref<640xf32, #tpu.memory_space<vmem>>, vector<16xf32>,
    %swap3A_15 = vector.shape_cast %swap3A_14 : vector<16xf32> to vector<16xf32>
    %swap3A_16 = vector.shape_cast %broadcast_in_dim3A_1 : vector<16xf32> to vector<16xf32>
    tpu.vector_store %arg7[%swap3A_13], %swap3A_16 {strides = array<i32>} : memref<640xf32, #tpu.memory_space<vmem>>, vector<16xf32>,
    %swap3A_17 = arith.constant 64 : index
    %swap3A_18 = tpu.vector_load %arg7[%swap3A_17] {strides = array<i32>} : memref<640xf32, #tpu.memory_space<vmem>>, vector<16xf32>,
    %swap3A_19 = vector.shape_cast %swap3A_18 : vector<16xf32> to vector<16xf32>
    %swap3A_20 = vector.shape_cast %broadcast_in_dim3A_1 : vector<16xf32> to vector<16xf32>
    tpu.vector_store %arg7[%swap3A_17], %swap3A_20 {strides = array<i32>} : memref<640xf32, #tpu.memory_space<vmem>>, vector<16xf32>,
    %swap3A_21 = arith.constant 80 : index
    %swap3A_22 = tpu.vector_load %arg7[%swap3A_21] {strides = array<i32>} : memref<640xf32, #tpu.memory_space<vmem>>, vector<16xf32>,
    %swap3A_23 = vector.shape_cast %swap3A_22 : vector<16xf32> to vector<16xf32>
    %swap3A_24 = vector.shape_cast %broadcast_in_dim3A_1 : vector<16xf32> to vector<16xf32>
    tpu.vector_store %arg7[%swap3A_21], %swap3A_24 {strides = array<i32>} : memref<640xf32, #tpu.memory_space<vmem>>, vector<16xf32>,
    %swap3A_25 = arith.constant 96 : index
    %swap3A_26 = tpu.vector_load %arg7[%swap3A_25] {strides = array<i32>} : memref<640xf32, #tpu.memory_space<vmem>>, vector<16xf32>,
    %swap3A_27 = vector.shape_cast %swap3A_26 : vector<16xf32> to vector<16xf32>
    %swap3A_28 = vector.shape_cast %broadcast_in_dim3A_1 : vector<16xf32> to vector<16xf32>
    tpu.vector_store %arg7[%swap3A_25], %swap3A_28 {strides = array<i32>} : memref<640xf32, #tpu.memory_space<vmem>>, vector<16xf32>,
    %swap3A_29 = arith.constant 112 : index
    %swap3A_30 = tpu.vector_load %arg7[%swap3A_29] {strides = array<i32>} : memref<640xf32, #tpu.memory_space<vmem>>, vector<16xf32>,
    %swap3A_31 = vector.shape_cast %swap3A_30 : vector<16xf32> to vector<16xf32>
    %swap3A_32 = vector.shape_cast %broadcast_in_dim3A_1 : vector<16xf32> to vector<16xf32>
    tpu.vector_store %arg7[%swap3A_29], %swap3A_32 {strides = array<i32>} : memref<640xf32, #tpu.memory_space<vmem>>, vector<16xf32>,
    %swap3A_33 = arith.constant 128 : index
    %swap3A_34 = tpu.vector_load %arg7[%swap3A_33] {strides = array<i32>} : memref<640xf32, #tpu.memory_space<vmem>>, vector<16xf32>,
    %swap3A_35 = vector.shape_cast %swap3A_34 : vector<16xf32> to vector<16xf32>
    %swap3A_36 = vector.shape_cast %broadcast_in_dim3A_1 : vector<16xf32> to vector<16xf32>
    tpu.vector_store %arg7[%swap3A_33], %swap3A_36 {strides = array<i32>} : memref<640xf32, #tpu.memory_space<vmem>>, vector<16xf32>,
    %swap3A_37 = arith.constant 144 : index
    %swap3A_38 = tpu.vector_load %arg7[%swap3A_37] {strides = array<i32>} : memref<640xf32, #tpu.memory_space<vmem>>, vector<16xf32>,
    %swap3A_39 = vector.shape_cast %swap3A_38 : vector<16xf32> to vector<16xf32>
    %swap3A_40 = vector.shape_cast %broadcast_in_dim3A_1 : vector<16xf32> to vector<16xf32>
    tpu.vector_store %arg7[%swap3A_37], %swap3A_40 {strides = array<i32>} : memref<640xf32, #tpu.memory_space<vmem>>, vector<16xf32>,
    %swap3A_41 = arith.constant 160 : index
    %swap3A_42 = tpu.vector_load %arg7[%swap3A_41] {strides = array<i32>} : memref<640xf32, #tpu.memory_space<vmem>>, vector<16xf32>,
    %swap3A_43 = vector.shape_cast %swap3A_42 : vector<16xf32> to vector<16xf32>
    %swap3A_44 = vector.shape_cast %broadcast_in_dim3A_1 : vector<16xf32> to vector<16xf32>
    tpu.vector_store %arg7[%swap3A_41], %swap3A_44 {strides = array<i32>} : memref<640xf32, #tpu.memory_space<vmem>>, vector<16xf32>,
    %swap3A_45 = arith.constant 176 : index
    %swap3A_46 = tpu.vector_load %arg7[%swap3A_45] {strides = array<i32>} : memref<640xf32, #tpu.memory_space<vmem>>, vector<16xf32>,
    %swap3A_47 = vector.shape_cast %swap3A_46 : vector<16xf32> to vector<16xf32>
    %swap3A_48 = vector.shape_cast %broadcast_in_dim3A_1 : vector<16xf32> to vector<16xf32>
    tpu.vector_store %arg7[%swap3A_45], %swap3A_48 {strides = array<i32>} : memref<640xf32, #tpu.memory_space<vmem>>, vector<16xf32>,
    %swap3A_49 = arith.constant 192 : index
    %swap3A_50 = tpu.vector_load %arg7[%swap3A_49] {strides = array<i32>} : memref<640xf32, #tpu.memory_space<vmem>>, vector<16xf32>,
    %swap3A_51 = vector.shape_cast %swap3A_50 : vector<16xf32> to vector<16xf32>
    %swap3A_52 = vector.shape_cast %broadcast_in_dim3A_1 : vector<16xf32> to vector<16xf32>
    tpu.vector_store %arg7[%swap3A_49], %swap3A_52 {strides = array<i32>} : memref<640xf32, #tpu.memory_space<vmem>>, vector<16xf32>,
    %swap3A_53 = arith.constant 208 : index
    %swap3A_54 = tpu.vector_load %arg7[%swap3A_53] {strides = array<i32>} : memref<640xf32, #tpu.memory_space<vmem>>, vector<16xf32>,
    %swap3A_55 = vector.shape_cast %swap3A_54 : vector<16xf32> to vector<16xf32>
    %swap3A_56 = vector.shape_cast %broadcast_in_dim3A_1 : vector<16xf32> to vector<16xf32>
    tpu.vector_store %arg7[%swap3A_53], %swap3A_56 {strides = array<i32>} : memref<640xf32, #tpu.memory_space<vmem>>, vector<16xf32>,
    %swap3A_57 = arith.constant 224 : index
    %swap3A_58 = tpu.vector_load %arg7[%swap3A_57] {strides = array<i32>} : memref<640xf32, #tpu.memory_space<vmem>>, vector<16xf32>,
    %swap3A_59 = vector.shape_cast %swap3A_58 : vector<16xf32> to vector<16xf32>
    %swap3A_60 = vector.shape_cast %broadcast_in_dim3A_1 : vector<16xf32> to vector<16xf32>
    tpu.vector_store %arg7[%swap3A_57], %swap3A_60 {strides = array<i32>} : memref<640xf32, #tpu.memory_space<vmem>>, vector<16xf32>,
    %swap3A_61 = arith.constant 240 : index
    %swap3A_62 = tpu.vector_load %arg7[%swap3A_61] {strides = array<i32>} : memref<640xf32, #tpu.memory_space<vmem>>, vector<16xf32>,
    %swap3A_63 = vector.shape_cast %swap3A_62 : vector<16xf32> to vector<16xf32>
    %swap3A_64 = vector.shape_cast %broadcast_in_dim3A_1 : vector<16xf32> to vector<16xf32>
    tpu.vector_store %arg7[%swap3A_61], %swap3A_64 {strides = array<i32>} : memref<640xf32, #tpu.memory_space<vmem>>, vector<16xf32>,
    %swap3A_65 = arith.constant 256 : index
    %swap3A_66 = tpu.vector_load %arg7[%swap3A_65] {strides = array<i32>} : memref<640xf32, #tpu.memory_space<vmem>>, vector<16xf32>,
    %swap3A_67 = vector.shape_cast %swap3A_66 : vector<16xf32> to vector<16xf32>
    %swap3A_68 = vector.shape_cast %broadcast_in_dim3A_1 : vector<16xf32> to vector<16xf32>
    tpu.vector_store %arg7[%swap3A_65], %swap3A_68 {strides = array<i32>} : memref<640xf32, #tpu.memory_space<vmem>>, vector<16xf32>,
    %swap3A_69 = arith.constant 272 : index
    %swap3A_70 = tpu.vector_load %arg7[%swap3A_69] {strides = array<i32>} : memref<640xf32, #tpu.memory_space<vmem>>, vector<16xf32>,
    %swap3A_71 = vector.shape_cast %swap3A_70 : vector<16xf32> to vector<16xf32>
    %swap3A_72 = vector.shape_cast %broadcast_in_dim3A_1 : vector<16xf32> to vector<16xf32>
    tpu.vector_store %arg7[%swap3A_69], %swap3A_72 {strides = array<i32>} : memref<640xf32, #tpu.memory_space<vmem>>, vector<16xf32>,
    %swap3A_73 = arith.constant 288 : index
    %swap3A_74 = tpu.vector_load %arg7[%swap3A_73] {strides = array<i32>} : memref<640xf32, #tpu.memory_space<vmem>>, vector<16xf32>,
    %swap3A_75 = vector.shape_cast %swap3A_74 : vector<16xf32> to vector<16xf32>
    %swap3A_76 = vector.shape_cast %broadcast_in_dim3A_1 : vector<16xf32> to vector<16xf32>
    tpu.vector_store %arg7[%swap3A_73], %swap3A_76 {strides = array<i32>} : memref<640xf32, #tpu.memory_space<vmem>>, vector<16xf32>,
    %swap3A_77 = arith.constant 304 : index
    %swap3A_78 = tpu.vector_load %arg7[%swap3A_77] {strides = array<i32>} : memref<640xf32, #tpu.memory_space<vmem>>, vector<16xf32>,
    %swap3A_79 = vector.shape_cast %swap3A_78 : vector<16xf32> to vector<16xf32>
    %swap3A_80 = vector.shape_cast %broadcast_in_dim3A_1 : vector<16xf32> to vector<16xf32>
    tpu.vector_store %arg7[%swap3A_77], %swap3A_80 {strides = array<i32>} : memref<640xf32, #tpu.memory_space<vmem>>, vector<16xf32>,
    %swap3A_81 = arith.constant 320 : index
    %swap3A_82 = tpu.vector_load %arg7[%swap3A_81] {strides = array<i32>} : memref<640xf32, #tpu.memory_space<vmem>>, vector<16xf32>,
    %swap3A_83 = vector.shape_cast %swap3A_82 : vector<16xf32> to vector<16xf32>
    %swap3A_84 = vector.shape_cast %broadcast_in_dim3A_1 : vector<16xf32> to vector<16xf32>
    tpu.vector_store %arg7[%swap3A_81], %swap3A_84 {strides = array<i32>} : memref<640xf32, #tpu.memory_space<vmem>>, vector<16xf32>,
    %swap3A_85 = arith.constant 336 : index
    %swap3A_86 = tpu.vector_load %arg7[%swap3A_85] {strides = array<i32>} : memref<640xf32, #tpu.memory_space<vmem>>, vector<16xf32>,
    %swap3A_87 = vector.shape_cast %swap3A_86 : vector<16xf32> to vector<16xf32>
    %swap3A_88 = vector.shape_cast %broadcast_in_dim3A_1 : vector<16xf32> to vector<16xf32>
    tpu.vector_store %arg7[%swap3A_85], %swap3A_88 {strides = array<i32>} : memref<640xf32, #tpu.memory_space<vmem>>, vector<16xf32>,
    %swap3A_89 = arith.constant 352 : index
    %swap3A_90 = tpu.vector_load %arg7[%swap3A_89] {strides = array<i32>} : memref<640xf32, #tpu.memory_space<vmem>>, vector<16xf32>,
    %swap3A_91 = vector.shape_cast %swap3A_90 : vector<16xf32> to vector<16xf32>
    %swap3A_92 = vector.shape_cast %broadcast_in_dim3A_1 : vector<16xf32> to vector<16xf32>
    tpu.vector_store %arg7[%swap3A_89], %swap3A_92 {strides = array<i32>} : memref<640xf32, #tpu.memory_space<vmem>>, vector<16xf32>,
    %swap3A_93 = arith.constant 368 : index
    %swap3A_94 = tpu.vector_load %arg7[%swap3A_93] {strides = array<i32>} : memref<640xf32, #tpu.memory_space<vmem>>, vector<16xf32>,
    %swap3A_95 = vector.shape_cast %swap3A_94 : vector<16xf32> to vector<16xf32>
    %swap3A_96 = vector.shape_cast %broadcast_in_dim3A_1 : vector<16xf32> to vector<16xf32>
    tpu.vector_store %arg7[%swap3A_93], %swap3A_96 {strides = array<i32>} : memref<640xf32, #tpu.memory_space<vmem>>, vector<16xf32>,
    %swap3A_97 = arith.constant 384 : index
    %swap3A_98 = tpu.vector_load %arg7[%swap3A_97] {strides = array<i32>} : memref<640xf32, #tpu.memory_space<vmem>>, vector<16xf32>,
    %swap3A_99 = vector.shape_cast %swap3A_98 : vector<16xf32> to vector<16xf32>
    %swap3A_100 = vector.shape_cast %broadcast_in_dim3A_1 : vector<16xf32> to vector<16xf32>
    tpu.vector_store %arg7[%swap3A_97], %swap3A_100 {strides = array<i32>} : memref<640xf32, #tpu.memory_space<vmem>>, vector<16xf32>,
    %swap3A_101 = arith.constant 400 : index
    %swap3A_102 = tpu.vector_load %arg7[%swap3A_101] {strides = array<i32>} : memref<640xf32, #tpu.memory_space<vmem>>, vector<16xf32>,
    %swap3A_103 = vector.shape_cast %swap3A_102 : vector<16xf32> to vector<16xf32>
    %swap3A_104 = vector.shape_cast %broadcast_in_dim3A_1 : vector<16xf32> to vector<16xf32>
    tpu.vector_store %arg7[%swap3A_101], %swap3A_104 {strides = array<i32>} : memref<640xf32, #tpu.memory_space<vmem>>, vector<16xf32>,
    %swap3A_105 = arith.constant 416 : index
    %swap3A_106 = tpu.vector_load %arg7[%swap3A_105] {strides = array<i32>} : memref<640xf32, #tpu.memory_space<vmem>>, vector<16xf32>,
    %swap3A_107 = vector.shape_cast %swap3A_106 : vector<16xf32> to vector<16xf32>
    %swap3A_108 = vector.shape_cast %broadcast_in_dim3A_1 : vector<16xf32> to vector<16xf32>
    tpu.vector_store %arg7[%swap3A_105], %swap3A_108 {strides = array<i32>} : memref<640xf32, #tpu.memory_space<vmem>>, vector<16xf32>,
    %swap3A_109 = arith.constant 432 : index
    %swap3A_110 = tpu.vector_load %arg7[%swap3A_109] {strides = array<i32>} : memref<640xf32, #tpu.memory_space<vmem>>, vector<16xf32>,
    %swap3A_111 = vector.shape_cast %swap3A_110 : vector<16xf32> to vector<16xf32>
    %swap3A_112 = vector.shape_cast %broadcast_in_dim3A_1 : vector<16xf32> to vector<16xf32>
    tpu.vector_store %arg7[%swap3A_109], %swap3A_112 {strides = array<i32>} : memref<640xf32, #tpu.memory_space<vmem>>, vector<16xf32>,
    %swap3A_113 = arith.constant 448 : index
    %swap3A_114 = tpu.vector_load %arg7[%swap3A_113] {strides = array<i32>} : memref<640xf32, #tpu.memory_space<vmem>>, vector<16xf32>,
    %swap3A_115 = vector.shape_cast %swap3A_114 : vector<16xf32> to vector<16xf32>
    %swap3A_116 = vector.shape_cast %broadcast_in_dim3A_1 : vector<16xf32> to vector<16xf32>
    tpu.vector_store %arg7[%swap3A_113], %swap3A_116 {strides = array<i32>} : memref<640xf32, #tpu.memory_space<vmem>>, vector<16xf32>,
    %swap3A_117 = arith.constant 464 : index
    %swap3A_118 = tpu.vector_load %arg7[%swap3A_117] {strides = array<i32>} : memref<640xf32, #tpu.memory_space<vmem>>, vector<16xf32>,
    %swap3A_119 = vector.shape_cast %swap3A_118 : vector<16xf32> to vector<16xf32>
    %swap3A_120 = vector.shape_cast %broadcast_in_dim3A_1 : vector<16xf32> to vector<16xf32>
    tpu.vector_store %arg7[%swap3A_117], %swap3A_120 {strides = array<i32>} : memref<640xf32, #tpu.memory_space<vmem>>, vector<16xf32>,
    %swap3A_121 = arith.constant 480 : index
    %swap3A_122 = tpu.vector_load %arg7[%swap3A_121] {strides = array<i32>} : memref<640xf32, #tpu.memory_space<vmem>>, vector<16xf32>,
    %swap3A_123 = vector.shape_cast %swap3A_122 : vector<16xf32> to vector<16xf32>
    %swap3A_124 = vector.shape_cast %broadcast_in_dim3A_1 : vector<16xf32> to vector<16xf32>
    tpu.vector_store %arg7[%swap3A_121], %swap3A_124 {strides = array<i32>} : memref<640xf32, #tpu.memory_space<vmem>>, vector<16xf32>,
    %swap3A_125 = arith.constant 496 : index
    %swap3A_126 = tpu.vector_load %arg7[%swap3A_125] {strides = array<i32>} : memref<640xf32, #tpu.memory_space<vmem>>, vector<16xf32>,
    %swap3A_127 = vector.shape_cast %swap3A_126 : vector<16xf32> to vector<16xf32>
    %swap3A_128 = vector.shape_cast %broadcast_in_dim3A_1 : vector<16xf32> to vector<16xf32>
    tpu.vector_store %arg7[%swap3A_125], %swap3A_128 {strides = array<i32>} : memref<640xf32, #tpu.memory_space<vmem>>, vector<16xf32>,
    %swap3A_129 = arith.constant 512 : index
    %swap3A_130 = tpu.vector_load %arg7[%swap3A_129] {strides = array<i32>} : memref<640xf32, #tpu.memory_space<vmem>>, vector<16xf32>,
    %swap3A_131 = vector.shape_cast %swap3A_130 : vector<16xf32> to vector<16xf32>
    %swap3A_132 = vector.shape_cast %broadcast_in_dim3A_1 : vector<16xf32> to vector<16xf32>
    tpu.vector_store %arg7[%swap3A_129], %swap3A_132 {strides = array<i32>} : memref<640xf32, #tpu.memory_space<vmem>>, vector<16xf32>,
    %swap3A_133 = arith.constant 528 : index
    %swap3A_134 = tpu.vector_load %arg7[%swap3A_133] {strides = array<i32>} : memref<640xf32, #tpu.memory_space<vmem>>, vector<16xf32>,
    %swap3A_135 = vector.shape_cast %swap3A_134 : vector<16xf32> to vector<16xf32>
    %swap3A_136 = vector.shape_cast %broadcast_in_dim3A_1 : vector<16xf32> to vector<16xf32>
    tpu.vector_store %arg7[%swap3A_133], %swap3A_136 {strides = array<i32>} : memref<640xf32, #tpu.memory_space<vmem>>, vector<16xf32>,
    %swap3A_137 = arith.constant 544 : index
    %swap3A_138 = tpu.vector_load %arg7[%swap3A_137] {strides = array<i32>} : memref<640xf32, #tpu.memory_space<vmem>>, vector<16xf32>,
    %swap3A_139 = vector.shape_cast %swap3A_138 : vector<16xf32> to vector<16xf32>
    %swap3A_140 = vector.shape_cast %broadcast_in_dim3A_1 : vector<16xf32> to vector<16xf32>
    tpu.vector_store %arg7[%swap3A_137], %swap3A_140 {strides = array<i32>} : memref<640xf32, #tpu.memory_space<vmem>>, vector<16xf32>,
    %swap3A_141 = arith.constant 560 : index
    %swap3A_142 = tpu.vector_load %arg7[%swap3A_141] {strides = array<i32>} : memref<640xf32, #tpu.memory_space<vmem>>, vector<16xf32>,
    %swap3A_143 = vector.shape_cast %swap3A_142 : vector<16xf32> to vector<16xf32>
    %swap3A_144 = vector.shape_cast %broadcast_in_dim3A_1 : vector<16xf32> to vector<16xf32>
    tpu.vector_store %arg7[%swap3A_141], %swap3A_144 {strides = array<i32>} : memref<640xf32, #tpu.memory_space<vmem>>, vector<16xf32>,
    %swap3A_145 = arith.constant 576 : index
    %swap3A_146 = tpu.vector_load %arg7[%swap3A_145] {strides = array<i32>} : memref<640xf32, #tpu.memory_space<vmem>>, vector<16xf32>,
    %swap3A_147 = vector.shape_cast %swap3A_146 : vector<16xf32> to vector<16xf32>
    %swap3A_148 = vector.shape_cast %broadcast_in_dim3A_1 : vector<16xf32> to vector<16xf32>
    tpu.vector_store %arg7[%swap3A_145], %swap3A_148 {strides = array<i32>} : memref<640xf32, #tpu.memory_space<vmem>>, vector<16xf32>,
    %swap3A_149 = arith.constant 592 : index
    %swap3A_150 = tpu.vector_load %arg7[%swap3A_149] {strides = array<i32>} : memref<640xf32, #tpu.memory_space<vmem>>, vector<16xf32>,
    %swap3A_151 = vector.shape_cast %swap3A_150 : vector<16xf32> to vector<16xf32>
    %swap3A_152 = vector.shape_cast %broadcast_in_dim3A_1 : vector<16xf32> to vector<16xf32>
    tpu.vector_store %arg7[%swap3A_149], %swap3A_152 {strides = array<i32>} : memref<640xf32, #tpu.memory_space<vmem>>, vector<16xf32>,
    %swap3A_153 = arith.constant 608 : index
    %swap3A_154 = tpu.vector_load %arg7[%swap3A_153] {strides = array<i32>} : memref<640xf32, #tpu.memory_space<vmem>>, vector<16xf32>,
    %swap3A_155 = vector.shape_cast %swap3A_154 : vector<16xf32> to vector<16xf32>
    %swap3A_156 = vector.shape_cast %broadcast_in_dim3A_1 : vector<16xf32> to vector<16xf32>
    tpu.vector_store %arg7[%swap3A_153], %swap3A_156 {strides = array<i32>} : memref<640xf32, #tpu.memory_space<vmem>>, vector<16xf32>,
    %swap3A_157 = arith.constant 624 : index
    %swap3A_158 = tpu.vector_load %arg7[%swap3A_157] {strides = array<i32>} : memref<640xf32, #tpu.memory_space<vmem>>, vector<16xf32>,
    %swap3A_159 = vector.shape_cast %swap3A_158 : vector<16xf32> to vector<16xf32>
    %swap3A_160 = vector.shape_cast %broadcast_in_dim3A_1 : vector<16xf32> to vector<16xf32>
    tpu.vector_store %arg7[%swap3A_157], %swap3A_160 {strides = array<i32>} : memref<640xf32, #tpu.memory_space<vmem>>, vector<16xf32>,
    %broadcast_in_dim3A_161 = arith.constant 1.000000e+00 : f32
    %broadcast_in_dim3A_162 = vector.broadcast %broadcast_in_dim3A_161 : f32 to vector<16xf32>
    %swap3A_163 = arith.constant 0 : index
    %swap3A_164 = tpu.vector_load %arg6[%swap3A_163] {strides = array<i32>} : memref<128xf32, #tpu.memory_space<vmem>>, vector<16xf32>,
    %swap3A_165 = vector.shape_cast %swap3A_164 : vector<16xf32> to vector<16xf32>
    %swap3A_166 = vector.shape_cast %broadcast_in_dim3A_162 : vector<16xf32> to vector<16xf32>
    tpu.vector_store %arg6[%swap3A_163], %swap3A_166 {strides = array<i32>} : memref<128xf32, #tpu.memory_space<vmem>>, vector<16xf32>,
    %broadcast_in_dim3A_167 = arith.constant 1.000000e+00 : f32
    %broadcast_in_dim3A_168 = vector.broadcast %broadcast_in_dim3A_167 : f32 to vector<16xf32>
    %swap3A_169 = arith.constant 16 : index
    %swap3A_170 = tpu.vector_load %arg6[%swap3A_169] {strides = array<i32>} : memref<128xf32, #tpu.memory_space<vmem>>, vector<16xf32>,
    %swap3A_171 = vector.shape_cast %swap3A_170 : vector<16xf32> to vector<16xf32>
    %swap3A_172 = vector.shape_cast %broadcast_in_dim3A_168 : vector<16xf32> to vector<16xf32>
    tpu.vector_store %arg6[%swap3A_169], %swap3A_172 {strides = array<i32>} : memref<128xf32, #tpu.memory_space<vmem>>, vector<16xf32>,
    %broadcast_in_dim3A_173 = arith.constant 1.000000e+00 : f32
    %broadcast_in_dim3A_174 = vector.broadcast %broadcast_in_dim3A_173 : f32 to vector<16xf32>
    %swap3A_175 = arith.constant 32 : index
    %swap3A_176 = tpu.vector_load %arg6[%swap3A_175] {strides = array<i32>} : memref<128xf32, #tpu.memory_space<vmem>>, vector<16xf32>,
    %swap3A_177 = vector.shape_cast %swap3A_176 : vector<16xf32> to vector<16xf32>
    %swap3A_178 = vector.shape_cast %broadcast_in_dim3A_174 : vector<16xf32> to vector<16xf32>
    tpu.vector_store %arg6[%swap3A_175], %swap3A_178 {strides = array<i32>} : memref<128xf32, #tpu.memory_space<vmem>>, vector<16xf32>,
    %broadcast_in_dim3A_179 = arith.constant 1.000000e+00 : f32
    %broadcast_in_dim3A_180 = vector.broadcast %broadcast_in_dim3A_179 : f32 to vector<16xf32>
    %swap3A_181 = arith.constant 48 : index
    %swap3A_182 = tpu.vector_load %arg6[%swap3A_181] {strides = array<i32>} : memref<128xf32, #tpu.memory_space<vmem>>, vector<16xf32>,
    %swap3A_183 = vector.shape_cast %swap3A_182 : vector<16xf32> to vector<16xf32>
    %swap3A_184 = vector.shape_cast %broadcast_in_dim3A_180 : vector<16xf32> to vector<16xf32>
    tpu.vector_store %arg6[%swap3A_181], %swap3A_184 {strides = array<i32>} : memref<128xf32, #tpu.memory_space<vmem>>, vector<16xf32>,
    %broadcast_in_dim3A_185 = arith.constant 1.000000e+00 : f32
    %broadcast_in_dim3A_186 = vector.broadcast %broadcast_in_dim3A_185 : f32 to vector<16xf32>
    %swap3A_187 = arith.constant 64 : index
    %swap3A_188 = tpu.vector_load %arg6[%swap3A_187] {strides = array<i32>} : memref<128xf32, #tpu.memory_space<vmem>>, vector<16xf32>,
    %swap3A_189 = vector.shape_cast %swap3A_188 : vector<16xf32> to vector<16xf32>
    %swap3A_190 = vector.shape_cast %broadcast_in_dim3A_186 : vector<16xf32> to vector<16xf32>
    tpu.vector_store %arg6[%swap3A_187], %swap3A_190 {strides = array<i32>} : memref<128xf32, #tpu.memory_space<vmem>>, vector<16xf32>,
    %broadcast_in_dim3A_191 = arith.constant 1.000000e+00 : f32
    %broadcast_in_dim3A_192 = vector.broadcast %broadcast_in_dim3A_191 : f32 to vector<16xf32>
    %swap3A_193 = arith.constant 80 : index
    %swap3A_194 = tpu.vector_load %arg6[%swap3A_193] {strides = array<i32>} : memref<128xf32, #tpu.memory_space<vmem>>, vector<16xf32>,
    %swap3A_195 = vector.shape_cast %swap3A_194 : vector<16xf32> to vector<16xf32>
    %swap3A_196 = vector.shape_cast %broadcast_in_dim3A_192 : vector<16xf32> to vector<16xf32>
    tpu.vector_store %arg6[%swap3A_193], %swap3A_196 {strides = array<i32>} : memref<128xf32, #tpu.memory_space<vmem>>, vector<16xf32>,
    %broadcast_in_dim3A_197 = arith.constant 1.000000e+00 : f32
    %broadcast_in_dim3A_198 = vector.broadcast %broadcast_in_dim3A_197 : f32 to vector<16xf32>
    %swap3A_199 = arith.constant 96 : index
    %swap3A_200 = tpu.vector_load %arg6[%swap3A_199] {strides = array<i32>} : memref<128xf32, #tpu.memory_space<vmem>>, vector<16xf32>,
    %swap3A_201 = vector.shape_cast %swap3A_200 : vector<16xf32> to vector<16xf32>
    %swap3A_202 = vector.shape_cast %broadcast_in_dim3A_198 : vector<16xf32> to vector<16xf32>
    tpu.vector_store %arg6[%swap3A_199], %swap3A_202 {strides = array<i32>} : memref<128xf32, #tpu.memory_space<vmem>>, vector<16xf32>,
    %broadcast_in_dim3A_203 = arith.constant 1.000000e+00 : f32
    %broadcast_in_dim3A_204 = vector.broadcast %broadcast_in_dim3A_203 : f32 to vector<16xf32>
    %swap3A_205 = arith.constant 112 : index
    %swap3A_206 = tpu.vector_load %arg6[%swap3A_205] {strides = array<i32>} : memref<128xf32, #tpu.memory_space<vmem>>, vector<16xf32>,
    %swap3A_207 = vector.shape_cast %swap3A_206 : vector<16xf32> to vector<16xf32>
    %swap3A_208 = vector.shape_cast %broadcast_in_dim3A_204 : vector<16xf32> to vector<16xf32>
    tpu.vector_store %arg6[%swap3A_205], %swap3A_208 {strides = array<i32>} : memref<128xf32, #tpu.memory_space<vmem>>, vector<16xf32>,
    %mul3A_209 = arith.constant 640 : i32
    %mul3A_210 = arith.muli %arg1, %mul3A_209 : i32
    "tpu.region"() ({
      %run_scoped3A = tpu.sem_alloc : memref<!tpu.dma_semaphore, #tpu.memory_space<semaphore_mem>>
      %dma_start3A = tpu.memref_slice %arg4[%mul3A_210] : memref<10240xf32, #tpu.memory_space<vmem_shared>> -> memref<640xf32, #tpu.memory_space<vmem_shared>>
      %dma_start3A_233 = tpu.memref_slice %arg4[%mul3A_210] : memref<10240xf32, #tpu.memory_space<vmem_shared>> -> memref<640xf32, #tpu.memory_space<vmem_shared>>
      tpu.enqueue_dma source(%arg7 : memref<640xf32, #tpu.memory_space<vmem>>) target(%dma_start3A_233 : memref<640xf32, #tpu.memory_space<vmem_shared>>) target_semaphore(%run_scoped3A : memref<!tpu.dma_semaphore, #tpu.memory_space<semaphore_mem>>)
      %dma_wait3A_234 = tpu.memref_slice %arg4[%mul3A_210] : memref<10240xf32, #tpu.memory_space<vmem_shared>> -> memref<640xf32, #tpu.memory_space<vmem_shared>>
      %dma_wait3A_235 = tpu.memref_slice %arg4[%mul3A_210] : memref<10240xf32, #tpu.memory_space<vmem_shared>> -> memref<640xf32, #tpu.memory_space<vmem_shared>>
      tpu.wait_dma2 semaphore(%run_scoped3A : memref<!tpu.dma_semaphore, #tpu.memory_space<semaphore_mem>>) src(%arg7 : memref<640xf32, #tpu.memory_space<vmem>>) dst(%dma_wait3A_235 : memref<640xf32, #tpu.memory_space<vmem_shared>>)
      tpu.yield
    }) : () -> ()
    %mul3A_211 = arith.constant 10000 : i32
    %mul3A_212 = arith.muli %add3A, %mul3A_211 : i32
    "tpu.region"() ({
      %run_scoped3A = tpu.sem_alloc : memref<!tpu.dma_semaphore, #tpu.memory_space<semaphore_mem>>
      %dma_start3A = tpu.memref_slice %arg2[%mul3A_212] : memref<320000xi32, #tpu.memory_space<hbm>> -> memref<10000xi32, #tpu.memory_space<hbm>>
      %dma_start3A_233 = tpu.memref_slice %arg2[%mul3A_212] : memref<320000xi32, #tpu.memory_space<hbm>> -> memref<10000xi32, #tpu.memory_space<hbm>>
      tpu.enqueue_dma source(%dma_start3A_233 : memref<10000xi32, #tpu.memory_space<hbm>>) target(%arg5 : memref<10000xi32, #tpu.memory_space<vmem>>) target_semaphore(%run_scoped3A : memref<!tpu.dma_semaphore, #tpu.memory_space<semaphore_mem>>)
      %dma_wait3A_234 = tpu.memref_slice %arg2[%mul3A_212] : memref<320000xi32, #tpu.memory_space<hbm>> -> memref<10000xi32, #tpu.memory_space<hbm>>
      %dma_wait3A_235 = tpu.memref_slice %arg2[%mul3A_212] : memref<320000xi32, #tpu.memory_space<hbm>> -> memref<10000xi32, #tpu.memory_space<hbm>>
      tpu.wait_dma2 semaphore(%run_scoped3A : memref<!tpu.dma_semaphore, #tpu.memory_space<semaphore_mem>>) src(%dma_wait3A_235 : memref<10000xi32, #tpu.memory_space<hbm>>) dst(%arg5 : memref<10000xi32, #tpu.memory_space<vmem>>)
      tpu.yield
    }) : () -> ()
    %barrier3A = arith.constant 0 : index
    tpu.barrier barrier_id(%barrier3A)
    %scan3A = arith.constant 0 : i32
    %scan3A_213 = arith.constant 0 : i32
    %scan3A_214 = arith.constant 39 : i32
    %scan3A_215 = arith.addi %scan3A_213, %scan3A_214 : i32
    %scan3A_216 = arith.constant 1 : i32
    scf.for %scan3A_233 = %scan3A_213 to %scan3A_215 step %scan3A_216  : i32 {
      %mul3A_234 = arith.constant 2 : i32
      %mul3A_235 = arith.muli %mul3A_234, %scan3A_233 : i32
      %add3A_236 = arith.constant 0 : i32
      %add3A_237 = arith.addi %mul3A_235, %add3A_236 : i32
      %ge3A = arith.constant 2 : i32
      %ge3A_238 = arith.cmpi sge, %add3A_237, %ge3A : i32
      %convert_element_type3A = arith.extui %ge3A_238 : i1 to i32
      %cond3A = arith.constant 0 : i32
      %cond3A_239 = arith.cmpi ne, %convert_element_type3A, %cond3A : i32
      scf.if %cond3A_239 {
        %sub3A = arith.constant 2 : i32
        %sub3A_256 = arith.subi %add3A_237, %sub3A : i32
        %mul3A_257 = arith.constant 128 : i32
        %mul3A_258 = arith.muli %sub3A_256, %mul3A_257 : i32
        %dma_wait3A_259 = tpu.memref_slice %arg5[%mul3A_258] : memref<10000xi32, #tpu.memory_space<vmem>> -> memref<128xi32, #tpu.memory_space<vmem>>
        %dma_wait3A_260 = arith.constant 0 : i32
        %dma_wait3A_261 = tpu.memref_slice %arg4[%dma_wait3A_260] : memref<10240xf32, #tpu.memory_space<vmem_shared>> -> memref<10240xf32, #tpu.memory_space<vmem_shared>>
        tpu.wait_indirect_dma semaphore(%arg8 : memref<!tpu.dma_semaphore, #tpu.memory_space<semaphore_mem>>) src(%arg6 : memref<128xf32, #tpu.memory_space<vmem>>) dst(%dma_wait3A_261 : memref<10240xf32, #tpu.memory_space<vmem_shared>>)
      } else {
      }
      %mul3A_240 = arith.constant 128 : i32
      %mul3A_241 = arith.muli %add3A_237, %mul3A_240 : i32
      %dma_start3A = tpu.memref_slice %arg5[%mul3A_241] : memref<10000xi32, #tpu.memory_space<vmem>> -> memref<128xi32, #tpu.memory_space<vmem>>
      %dma_start3A_242 = arith.constant 0 : i32
      %dma_start3A_243 = tpu.memref_slice %arg4[%dma_start3A_242] : memref<10240xf32, #tpu.memory_space<vmem_shared>> -> memref<10240xf32, #tpu.memory_space<vmem_shared>>
      tpu.enqueue_indirect_dma source(%arg6 : memref<128xf32, #tpu.memory_space<vmem>>) target(%dma_start3A_243 : memref<10240xf32, #tpu.memory_space<vmem_shared>>) offsets(%dma_start3A : memref<128xi32, #tpu.memory_space<vmem>>) semaphore(%arg8 : memref<!tpu.dma_semaphore, #tpu.memory_space<semaphore_mem>>) {add = true}
      %add3A_244 = arith.constant 1 : i32
      %add3A_245 = arith.addi %mul3A_235, %add3A_244 : i32
      %ge3A_246 = arith.constant 2 : i32
      %ge3A_247 = arith.cmpi sge, %add3A_245, %ge3A_246 : i32
      %convert_element_type3A_248 = arith.extui %ge3A_247 : i1 to i32
      %cond3A_249 = arith.constant 0 : i32
      %cond3A_250 = arith.cmpi ne, %convert_element_type3A_248, %cond3A_249 : i32
      scf.if %cond3A_250 {
        %sub3A = arith.constant 2 : i32
        %sub3A_256 = arith.subi %add3A_245, %sub3A : i32
        %mul3A_257 = arith.constant 128 : i32
        %mul3A_258 = arith.muli %sub3A_256, %mul3A_257 : i32
        %dma_wait3A_259 = tpu.memref_slice %arg5[%mul3A_258] : memref<10000xi32, #tpu.memory_space<vmem>> -> memref<128xi32, #tpu.memory_space<vmem>>
        %dma_wait3A_260 = arith.constant 0 : i32
        %dma_wait3A_261 = tpu.memref_slice %arg4[%dma_wait3A_260] : memref<10240xf32, #tpu.memory_space<vmem_shared>> -> memref<10240xf32, #tpu.memory_space<vmem_shared>>
        tpu.wait_indirect_dma semaphore(%arg9 : memref<!tpu.dma_semaphore, #tpu.memory_space<semaphore_mem>>) src(%arg6 : memref<128xf32, #tpu.memory_space<vmem>>) dst(%dma_wait3A_261 : memref<10240xf32, #tpu.memory_space<vmem_shared>>)
      } else {
      }
      %mul3A_251 = arith.constant 128 : i32
      %mul3A_252 = arith.muli %add3A_245, %mul3A_251 : i32
      %dma_start3A_253 = tpu.memref_slice %arg5[%mul3A_252] : memref<10000xi32, #tpu.memory_space<vmem>> -> memref<128xi32, #tpu.memory_space<vmem>>
      %dma_start3A_254 = arith.constant 0 : i32
      %dma_start3A_255 = tpu.memref_slice %arg4[%dma_start3A_254] : memref<10240xf32, #tpu.memory_space<vmem_shared>> -> memref<10240xf32, #tpu.memory_space<vmem_shared>>
      tpu.enqueue_indirect_dma source(%arg6 : memref<128xf32, #tpu.memory_space<vmem>>) target(%dma_start3A_255 : memref<10240xf32, #tpu.memory_space<vmem_shared>>) offsets(%dma_start3A_253 : memref<128xi32, #tpu.memory_space<vmem>>) semaphore(%arg9 : memref<!tpu.dma_semaphore, #tpu.memory_space<semaphore_mem>>) {add = true}
    }
    %scan3A_217 = arith.constant 39 : i32
    %dma_wait3A = arith.constant 9728 : i32
    %dma_wait3A_218 = tpu.memref_slice %arg5[%dma_wait3A] : memref<10000xi32, #tpu.memory_space<vmem>> -> memref<128xi32, #tpu.memory_space<vmem>>
    %dma_wait3A_219 = arith.constant 0 : i32
    %dma_wait3A_220 = tpu.memref_slice %arg4[%dma_wait3A_219] : memref<10240xf32, #tpu.memory_space<vmem_shared>> -> memref<10240xf32, #tpu.memory_space<vmem_shared>>
    tpu.wait_indirect_dma semaphore(%arg8 : memref<!tpu.dma_semaphore, #tpu.memory_space<semaphore_mem>>) src(%arg6 : memref<128xf32, #tpu.memory_space<vmem>>) dst(%dma_wait3A_220 : memref<10240xf32, #tpu.memory_space<vmem_shared>>)
    %dma_wait3A_221 = arith.constant 9856 : i32
    %dma_wait3A_222 = tpu.memref_slice %arg5[%dma_wait3A_221] : memref<10000xi32, #tpu.memory_space<vmem>> -> memref<128xi32, #tpu.memory_space<vmem>>
    %dma_wait3A_223 = arith.constant 0 : i32
    %dma_wait3A_224 = tpu.memref_slice %arg4[%dma_wait3A_223] : memref<10240xf32, #tpu.memory_space<vmem_shared>> -> memref<10240xf32, #tpu.memory_space<vmem_shared>>
    tpu.wait_indirect_dma semaphore(%arg9 : memref<!tpu.dma_semaphore, #tpu.memory_space<semaphore_mem>>) src(%arg6 : memref<128xf32, #tpu.memory_space<vmem>>) dst(%dma_wait3A_224 : memref<10240xf32, #tpu.memory_space<vmem_shared>>)
    "tpu.region"() ({
      %run_scoped3A = tpu.sem_alloc : memref<!tpu.dma_semaphore, #tpu.memory_space<semaphore_mem>>
      %dma_start3A = arith.constant 0 : i32
      %dma_start3A_233 = tpu.memref_slice %arg6[%dma_start3A] : memref<128xf32, #tpu.memory_space<vmem>> -> memref<16xf32, #tpu.memory_space<vmem>>
      %dma_start3A_234 = arith.constant 9984 : i32
      %dma_start3A_235 = tpu.memref_slice %arg5[%dma_start3A_234] : memref<10000xi32, #tpu.memory_space<vmem>> -> memref<16xi32, #tpu.memory_space<vmem>>
      %dma_start3A_236 = arith.constant 0 : i32
      %dma_start3A_237 = tpu.memref_slice %arg4[%dma_start3A_236] : memref<10240xf32, #tpu.memory_space<vmem_shared>> -> memref<10240xf32, #tpu.memory_space<vmem_shared>>
      tpu.enqueue_indirect_dma source(%dma_start3A_233 : memref<16xf32, #tpu.memory_space<vmem>>) target(%dma_start3A_237 : memref<10240xf32, #tpu.memory_space<vmem_shared>>) offsets(%dma_start3A_235 : memref<16xi32, #tpu.memory_space<vmem>>) semaphore(%run_scoped3A : memref<!tpu.dma_semaphore, #tpu.memory_space<semaphore_mem>>) {add = true}
      %dma_wait3A_238 = arith.constant 0 : i32
      %dma_wait3A_239 = tpu.memref_slice %arg6[%dma_wait3A_238] : memref<128xf32, #tpu.memory_space<vmem>> -> memref<16xf32, #tpu.memory_space<vmem>>
      %dma_wait3A_240 = arith.constant 9984 : i32
      %dma_wait3A_241 = tpu.memref_slice %arg5[%dma_wait3A_240] : memref<10000xi32, #tpu.memory_space<vmem>> -> memref<16xi32, #tpu.memory_space<vmem>>
      %dma_wait3A_242 = arith.constant 0 : i32
      %dma_wait3A_243 = tpu.memref_slice %arg4[%dma_wait3A_242] : memref<10240xf32, #tpu.memory_space<vmem_shared>> -> memref<10240xf32, #tpu.memory_space<vmem_shared>>
      tpu.wait_indirect_dma semaphore(%run_scoped3A : memref<!tpu.dma_semaphore, #tpu.memory_space<semaphore_mem>>) src(%dma_wait3A_239 : memref<16xf32, #tpu.memory_space<vmem>>) dst(%dma_wait3A_243 : memref<10240xf32, #tpu.memory_space<vmem_shared>>)
      tpu.yield
    }) : () -> ()
    %barrier3A_225 = arith.constant 0 : index
    tpu.barrier barrier_id(%barrier3A_225)
    %mul3A_226 = arith.constant 640 : i32
    %mul3A_227 = arith.muli %arg1, %mul3A_226 : i32
    %mul3A_228 = arith.constant 10240 : i32
    %mul3A_229 = arith.muli %arg0, %mul3A_228 : i32
    %mul3A_230 = arith.constant 640 : i32
    %mul3A_231 = arith.muli %arg1, %mul3A_230 : i32
    %add3A_232 = arith.addi %mul3A_229, %mul3A_231 : i32
    "tpu.region"() ({
      %run_scoped3A = tpu.sem_alloc : memref<!tpu.dma_semaphore, #tpu.memory_space<semaphore_mem>>
      %dma_start3A = tpu.memref_slice %arg3[%add3A_232] : memref<20480xf32, #tpu.memory_space<hbm>> -> memref<640xf32, #tpu.memory_space<hbm>>
      %dma_start3A_233 = tpu.memref_slice %arg4[%mul3A_227] : memref<10240xf32, #tpu.memory_space<vmem_shared>> -> memref<640xf32, #tpu.memory_space<vmem_shared>>
      tpu.enqueue_dma source(%dma_start3A_233 : memref<640xf32, #tpu.memory_space<vmem_shared>>) target(%dma_start3A : memref<640xf32, #tpu.memory_space<hbm>>) target_semaphore(%run_scoped3A : memref<!tpu.dma_semaphore, #tpu.memory_space<semaphore_mem>>)
      %dma_wait3A_234 = tpu.memref_slice %arg3[%add3A_232] : memref<20480xf32, #tpu.memory_space<hbm>> -> memref<640xf32, #tpu.memory_space<hbm>>
      %dma_wait3A_235 = tpu.memref_slice %arg4[%mul3A_227] : memref<10240xf32, #tpu.memory_space<vmem_shared>> -> memref<640xf32, #tpu.memory_space<vmem_shared>>
      tpu.wait_dma2 semaphore(%run_scoped3A : memref<!tpu.dma_semaphore, #tpu.memory_space<semaphore_mem>>) src(%dma_wait3A_235 : memref<640xf32, #tpu.memory_space<vmem_shared>>) dst(%dma_wait3A_234 : memref<640xf32, #tpu.memory_space<hbm>>)
      tpu.yield
    }) : () -> ()
    return
  }
}

#map = affine_map<(d0, d1) -> (0)>
#map1 = affine_map<(d0, d1) -> (0, 0)>
module attributes {stable_mosaic.version = 14 : i64} {
  func.func @_prop_kernel(%arg0: i32, %arg1: i32, %arg2: memref<320000xi32, #tpu.memory_space<hbm>>, %arg3: memref<320000xi32, #tpu.memory_space<hbm>>, %arg4: memref<10240x128xf32, #tpu.memory_space<hbm>>, %arg5: memref<10240x128xf32, #tpu.memory_space<hbm>>, %arg6: memref<10240x64xf32, #tpu.memory_space<vmem_shared>>, %arg7: memref<10240x64xf32, #tpu.memory_space<vmem_shared>>, %arg8: memref<10000xi32, #tpu.memory_space<vmem>>, %arg9: memref<10000xi32, #tpu.memory_space<vmem>>, %arg10: memref<3x128x64xf32, #tpu.memory_space<vmem>>, %arg11: memref<32x64xf32, #tpu.memory_space<vmem>>, %arg12: memref<!tpu.dma_semaphore, #tpu.memory_space<semaphore_mem>>, %arg13: memref<!tpu.dma_semaphore, #tpu.memory_space<semaphore_mem>>, %arg14: memref<!tpu.dma_semaphore, #tpu.memory_space<semaphore_mem>>, %arg15: memref<!tpu.dma_semaphore, #tpu.memory_space<semaphore_mem>>, %arg16: memref<!tpu.dma_semaphore, #tpu.memory_space<semaphore_mem>>, %arg17: memref<!tpu.dma_semaphore, #tpu.memory_space<semaphore_mem>>, %arg18: memref<!tpu.dma_semaphore, #tpu.memory_space<semaphore_mem>>) attributes {dimension_semantics = [#tpu.dimension_semantics<core_parallel>, #tpu.dimension_semantics<subcore_parallel>], iteration_bounds = array<i64: 2, 16>, scalar_prefetch = 0 : i64, scratch_operands = 13 : i64, tpu.core_type = #tpu.core_type<sc_vector_subcore>, window_params = [{transform_indices = #map}, {transform_indices = #map}, {transform_indices = #map1}, {transform_indices = #map1}]} {
    %mul3A = arith.constant 2 : i32
    %mul3A_0 = arith.muli %arg1, %mul3A : i32
    %add3A = arith.addi %mul3A_0, %arg0 : i32
    %scan3A = arith.constant 0 : i32
    %scan3A_1 = arith.constant 0 : i32
    %scan3A_2 = arith.constant 32 : i32
    %scan3A_3 = arith.addi %scan3A_1, %scan3A_2 : i32
    %scan3A_4 = arith.constant 1 : i32
    scf.for %scan3A_173 = %scan3A_1 to %scan3A_3 step %scan3A_4  : i32 {
      %broadcast_in_dim3A = arith.constant 0.000000e+00 : f32
      %broadcast_in_dim3A_174 = vector.broadcast %broadcast_in_dim3A : f32 to vector<16xf32>
      %swap3A = arith.index_cast %scan3A_173 : i32 to index
      %swap3A_175 = arith.constant 0 : index
      %swap3A_176 = tpu.vector_load %arg11[%swap3A, %swap3A_175] {strides = array<i32>} : memref<32x64xf32, #tpu.memory_space<vmem>>, vector<1x16xf32>,
      %swap3A_177 = vector.shape_cast %swap3A_176 : vector<1x16xf32> to vector<16xf32>
      %swap3A_178 = vector.shape_cast %broadcast_in_dim3A_174 : vector<16xf32> to vector<1x16xf32>
      tpu.vector_store %arg11[%swap3A, %swap3A_175], %swap3A_178 {strides = array<i32>} : memref<32x64xf32, #tpu.memory_space<vmem>>, vector<1x16xf32>,
      %broadcast_in_dim3A_179 = arith.constant 0.000000e+00 : f32
      %broadcast_in_dim3A_180 = vector.broadcast %broadcast_in_dim3A_179 : f32 to vector<16xf32>
      %swap3A_181 = arith.index_cast %scan3A_173 : i32 to index
      %swap3A_182 = arith.constant 16 : index
      %swap3A_183 = tpu.vector_load %arg11[%swap3A_181, %swap3A_182] {strides = array<i32>} : memref<32x64xf32, #tpu.memory_space<vmem>>, vector<1x16xf32>,
      %swap3A_184 = vector.shape_cast %swap3A_183 : vector<1x16xf32> to vector<16xf32>
      %swap3A_185 = vector.shape_cast %broadcast_in_dim3A_180 : vector<16xf32> to vector<1x16xf32>
      tpu.vector_store %arg11[%swap3A_181, %swap3A_182], %swap3A_185 {strides = array<i32>} : memref<32x64xf32, #tpu.memory_space<vmem>>, vector<1x16xf32>,
      %broadcast_in_dim3A_186 = arith.constant 0.000000e+00 : f32
      %broadcast_in_dim3A_187 = vector.broadcast %broadcast_in_dim3A_186 : f32 to vector<16xf32>
      %swap3A_188 = arith.index_cast %scan3A_173 : i32 to index
      %swap3A_189 = arith.constant 32 : index
      %swap3A_190 = tpu.vector_load %arg11[%swap3A_188, %swap3A_189] {strides = array<i32>} : memref<32x64xf32, #tpu.memory_space<vmem>>, vector<1x16xf32>,
      %swap3A_191 = vector.shape_cast %swap3A_190 : vector<1x16xf32> to vector<16xf32>
      %swap3A_192 = vector.shape_cast %broadcast_in_dim3A_187 : vector<16xf32> to vector<1x16xf32>
      tpu.vector_store %arg11[%swap3A_188, %swap3A_189], %swap3A_192 {strides = array<i32>} : memref<32x64xf32, #tpu.memory_space<vmem>>, vector<1x16xf32>,
      %broadcast_in_dim3A_193 = arith.constant 0.000000e+00 : f32
      %broadcast_in_dim3A_194 = vector.broadcast %broadcast_in_dim3A_193 : f32 to vector<16xf32>
      %swap3A_195 = arith.index_cast %scan3A_173 : i32 to index
      %swap3A_196 = arith.constant 48 : index
      %swap3A_197 = tpu.vector_load %arg11[%swap3A_195, %swap3A_196] {strides = array<i32>} : memref<32x64xf32, #tpu.memory_space<vmem>>, vector<1x16xf32>,
      %swap3A_198 = vector.shape_cast %swap3A_197 : vector<1x16xf32> to vector<16xf32>
      %swap3A_199 = vector.shape_cast %broadcast_in_dim3A_194 : vector<16xf32> to vector<1x16xf32>
      tpu.vector_store %arg11[%swap3A_195, %swap3A_196], %swap3A_199 {strides = array<i32>} : memref<32x64xf32, #tpu.memory_space<vmem>>, vector<1x16xf32>,
    }
    %scan3A_5 = arith.constant 32 : i32
    %mul3A_6 = arith.constant 640 : i32
    %mul3A_7 = arith.muli %arg1, %mul3A_6 : i32
    %mul3A_8 = arith.constant 640 : i32
    %mul3A_9 = arith.muli %arg1, %mul3A_8 : i32
    %dma_start3A = arith.constant 0 : i32
    %dma_start3A_10 = tpu.memref_slice %arg7[%mul3A_9, %dma_start3A] : memref<10240x64xf32, #tpu.memory_space<vmem_shared>> -> memref<640x64xf32, #tpu.memory_space<vmem_shared>>
    %dma_start3A_11 = arith.constant 0 : i32
    %dma_start3A_12 = tpu.memref_slice %arg4[%mul3A_7, %dma_start3A_11] : memref<10240x128xf32, #tpu.memory_space<hbm>> -> memref<640x64xf32, #tpu.memory_space<hbm>>
    tpu.enqueue_dma source(%dma_start3A_12 : memref<640x64xf32, #tpu.memory_space<hbm>>) target(%dma_start3A_10 : memref<640x64xf32, #tpu.memory_space<vmem_shared>>) target_semaphore(%arg18 : memref<!tpu.dma_semaphore, #tpu.memory_space<semaphore_mem>>)
    %mul3A_13 = arith.constant 640 : i32
    %mul3A_14 = arith.muli %arg1, %mul3A_13 : i32
    %add3A_15 = arith.constant 0 : i32
    %add3A_16 = arith.addi %mul3A_14, %add3A_15 : i32
    "tpu.region"() ({
      %run_scoped3A_173 = tpu.sem_alloc : memref<!tpu.dma_semaphore, #tpu.memory_space<semaphore_mem>>
      %dma_start3A_174 = arith.constant 0 : i32
      %dma_start3A_175 = tpu.memref_slice %arg6[%add3A_16, %dma_start3A_174] : memref<10240x64xf32, #tpu.memory_space<vmem_shared>> -> memref<32x64xf32, #tpu.memory_space<vmem_shared>>
      %dma_start3A_176 = arith.constant 0 : i32
      %dma_start3A_177 = tpu.memref_slice %arg6[%add3A_16, %dma_start3A_176] : memref<10240x64xf32, #tpu.memory_space<vmem_shared>> -> memref<32x64xf32, #tpu.memory_space<vmem_shared>>
      tpu.enqueue_dma source(%arg11 : memref<32x64xf32, #tpu.memory_space<vmem>>) target(%dma_start3A_177 : memref<32x64xf32, #tpu.memory_space<vmem_shared>>) target_semaphore(%run_scoped3A_173 : memref<!tpu.dma_semaphore, #tpu.memory_space<semaphore_mem>>)
      %dma_wait3A_178 = arith.constant 0 : i32
      %dma_wait3A_179 = tpu.memref_slice %arg6[%add3A_16, %dma_wait3A_178] : memref<10240x64xf32, #tpu.memory_space<vmem_shared>> -> memref<32x64xf32, #tpu.memory_space<vmem_shared>>
      %dma_wait3A_180 = arith.constant 0 : i32
      %dma_wait3A_181 = tpu.memref_slice %arg6[%add3A_16, %dma_wait3A_180] : memref<10240x64xf32, #tpu.memory_space<vmem_shared>> -> memref<32x64xf32, #tpu.memory_space<vmem_shared>>
      tpu.wait_dma2 semaphore(%run_scoped3A_173 : memref<!tpu.dma_semaphore, #tpu.memory_space<semaphore_mem>>) src(%arg11 : memref<32x64xf32, #tpu.memory_space<vmem>>) dst(%dma_wait3A_181 : memref<32x64xf32, #tpu.memory_space<vmem_shared>>)
      tpu.yield
    }) : () -> ()
    %mul3A_17 = arith.constant 640 : i32
    %mul3A_18 = arith.muli %arg1, %mul3A_17 : i32
    %add3A_19 = arith.constant 32 : i32
    %add3A_20 = arith.addi %mul3A_18, %add3A_19 : i32
    "tpu.region"() ({
      %run_scoped3A_173 = tpu.sem_alloc : memref<!tpu.dma_semaphore, #tpu.memory_space<semaphore_mem>>
      %dma_start3A_174 = arith.constant 0 : i32
      %dma_start3A_175 = tpu.memref_slice %arg6[%add3A_20, %dma_start3A_174] : memref<10240x64xf32, #tpu.memory_space<vmem_shared>> -> memref<32x64xf32, #tpu.memory_space<vmem_shared>>
      %dma_start3A_176 = arith.constant 0 : i32
      %dma_start3A_177 = tpu.memref_slice %arg6[%add3A_20, %dma_start3A_176] : memref<10240x64xf32, #tpu.memory_space<vmem_shared>> -> memref<32x64xf32, #tpu.memory_space<vmem_shared>>
      tpu.enqueue_dma source(%arg11 : memref<32x64xf32, #tpu.memory_space<vmem>>) target(%dma_start3A_177 : memref<32x64xf32, #tpu.memory_space<vmem_shared>>) target_semaphore(%run_scoped3A_173 : memref<!tpu.dma_semaphore, #tpu.memory_space<semaphore_mem>>)
      %dma_wait3A_178 = arith.constant 0 : i32
      %dma_wait3A_179 = tpu.memref_slice %arg6[%add3A_20, %dma_wait3A_178] : memref<10240x64xf32, #tpu.memory_space<vmem_shared>> -> memref<32x64xf32, #tpu.memory_space<vmem_shared>>
      %dma_wait3A_180 = arith.constant 0 : i32
      %dma_wait3A_181 = tpu.memref_slice %arg6[%add3A_20, %dma_wait3A_180] : memref<10240x64xf32, #tpu.memory_space<vmem_shared>> -> memref<32x64xf32, #tpu.memory_space<vmem_shared>>
      tpu.wait_dma2 semaphore(%run_scoped3A_173 : memref<!tpu.dma_semaphore, #tpu.memory_space<semaphore_mem>>) src(%arg11 : memref<32x64xf32, #tpu.memory_space<vmem>>) dst(%dma_wait3A_181 : memref<32x64xf32, #tpu.memory_space<vmem_shared>>)
      tpu.yield
    }) : () -> ()
    %mul3A_21 = arith.constant 640 : i32
    %mul3A_22 = arith.muli %arg1, %mul3A_21 : i32
    %add3A_23 = arith.constant 64 : i32
    %add3A_24 = arith.addi %mul3A_22, %add3A_23 : i32
    "tpu.region"() ({
      %run_scoped3A_173 = tpu.sem_alloc : memref<!tpu.dma_semaphore, #tpu.memory_space<semaphore_mem>>
      %dma_start3A_174 = arith.constant 0 : i32
      %dma_start3A_175 = tpu.memref_slice %arg6[%add3A_24, %dma_start3A_174] : memref<10240x64xf32, #tpu.memory_space<vmem_shared>> -> memref<32x64xf32, #tpu.memory_space<vmem_shared>>
      %dma_start3A_176 = arith.constant 0 : i32
      %dma_start3A_177 = tpu.memref_slice %arg6[%add3A_24, %dma_start3A_176] : memref<10240x64xf32, #tpu.memory_space<vmem_shared>> -> memref<32x64xf32, #tpu.memory_space<vmem_shared>>
      tpu.enqueue_dma source(%arg11 : memref<32x64xf32, #tpu.memory_space<vmem>>) target(%dma_start3A_177 : memref<32x64xf32, #tpu.memory_space<vmem_shared>>) target_semaphore(%run_scoped3A_173 : memref<!tpu.dma_semaphore, #tpu.memory_space<semaphore_mem>>)
      %dma_wait3A_178 = arith.constant 0 : i32
      %dma_wait3A_179 = tpu.memref_slice %arg6[%add3A_24, %dma_wait3A_178] : memref<10240x64xf32, #tpu.memory_space<vmem_shared>> -> memref<32x64xf32, #tpu.memory_space<vmem_shared>>
      %dma_wait3A_180 = arith.constant 0 : i32
      %dma_wait3A_181 = tpu.memref_slice %arg6[%add3A_24, %dma_wait3A_180] : memref<10240x64xf32, #tpu.memory_space<vmem_shared>> -> memref<32x64xf32, #tpu.memory_space<vmem_shared>>
      tpu.wait_dma2 semaphore(%run_scoped3A_173 : memref<!tpu.dma_semaphore, #tpu.memory_space<semaphore_mem>>) src(%arg11 : memref<32x64xf32, #tpu.memory_space<vmem>>) dst(%dma_wait3A_181 : memref<32x64xf32, #tpu.memory_space<vmem_shared>>)
      tpu.yield
    }) : () -> ()
    %mul3A_25 = arith.constant 640 : i32
    %mul3A_26 = arith.muli %arg1, %mul3A_25 : i32
    %add3A_27 = arith.constant 96 : i32
    %add3A_28 = arith.addi %mul3A_26, %add3A_27 : i32
    "tpu.region"() ({
      %run_scoped3A_173 = tpu.sem_alloc : memref<!tpu.dma_semaphore, #tpu.memory_space<semaphore_mem>>
      %dma_start3A_174 = arith.constant 0 : i32
      %dma_start3A_175 = tpu.memref_slice %arg6[%add3A_28, %dma_start3A_174] : memref<10240x64xf32, #tpu.memory_space<vmem_shared>> -> memref<32x64xf32, #tpu.memory_space<vmem_shared>>
      %dma_start3A_176 = arith.constant 0 : i32
      %dma_start3A_177 = tpu.memref_slice %arg6[%add3A_28, %dma_start3A_176] : memref<10240x64xf32, #tpu.memory_space<vmem_shared>> -> memref<32x64xf32, #tpu.memory_space<vmem_shared>>
      tpu.enqueue_dma source(%arg11 : memref<32x64xf32, #tpu.memory_space<vmem>>) target(%dma_start3A_177 : memref<32x64xf32, #tpu.memory_space<vmem_shared>>) target_semaphore(%run_scoped3A_173 : memref<!tpu.dma_semaphore, #tpu.memory_space<semaphore_mem>>)
      %dma_wait3A_178 = arith.constant 0 : i32
      %dma_wait3A_179 = tpu.memref_slice %arg6[%add3A_28, %dma_wait3A_178] : memref<10240x64xf32, #tpu.memory_space<vmem_shared>> -> memref<32x64xf32, #tpu.memory_space<vmem_shared>>
      %dma_wait3A_180 = arith.constant 0 : i32
      %dma_wait3A_181 = tpu.memref_slice %arg6[%add3A_28, %dma_wait3A_180] : memref<10240x64xf32, #tpu.memory_space<vmem_shared>> -> memref<32x64xf32, #tpu.memory_space<vmem_shared>>
      tpu.wait_dma2 semaphore(%run_scoped3A_173 : memref<!tpu.dma_semaphore, #tpu.memory_space<semaphore_mem>>) src(%arg11 : memref<32x64xf32, #tpu.memory_space<vmem>>) dst(%dma_wait3A_181 : memref<32x64xf32, #tpu.memory_space<vmem_shared>>)
      tpu.yield
    }) : () -> ()
    %mul3A_29 = arith.constant 640 : i32
    %mul3A_30 = arith.muli %arg1, %mul3A_29 : i32
    %add3A_31 = arith.constant 128 : i32
    %add3A_32 = arith.addi %mul3A_30, %add3A_31 : i32
    "tpu.region"() ({
      %run_scoped3A_173 = tpu.sem_alloc : memref<!tpu.dma_semaphore, #tpu.memory_space<semaphore_mem>>
      %dma_start3A_174 = arith.constant 0 : i32
      %dma_start3A_175 = tpu.memref_slice %arg6[%add3A_32, %dma_start3A_174] : memref<10240x64xf32, #tpu.memory_space<vmem_shared>> -> memref<32x64xf32, #tpu.memory_space<vmem_shared>>
      %dma_start3A_176 = arith.constant 0 : i32
      %dma_start3A_177 = tpu.memref_slice %arg6[%add3A_32, %dma_start3A_176] : memref<10240x64xf32, #tpu.memory_space<vmem_shared>> -> memref<32x64xf32, #tpu.memory_space<vmem_shared>>
      tpu.enqueue_dma source(%arg11 : memref<32x64xf32, #tpu.memory_space<vmem>>) target(%dma_start3A_177 : memref<32x64xf32, #tpu.memory_space<vmem_shared>>) target_semaphore(%run_scoped3A_173 : memref<!tpu.dma_semaphore, #tpu.memory_space<semaphore_mem>>)
      %dma_wait3A_178 = arith.constant 0 : i32
      %dma_wait3A_179 = tpu.memref_slice %arg6[%add3A_32, %dma_wait3A_178] : memref<10240x64xf32, #tpu.memory_space<vmem_shared>> -> memref<32x64xf32, #tpu.memory_space<vmem_shared>>
      %dma_wait3A_180 = arith.constant 0 : i32
      %dma_wait3A_181 = tpu.memref_slice %arg6[%add3A_32, %dma_wait3A_180] : memref<10240x64xf32, #tpu.memory_space<vmem_shared>> -> memref<32x64xf32, #tpu.memory_space<vmem_shared>>
      tpu.wait_dma2 semaphore(%run_scoped3A_173 : memref<!tpu.dma_semaphore, #tpu.memory_space<semaphore_mem>>) src(%arg11 : memref<32x64xf32, #tpu.memory_space<vmem>>) dst(%dma_wait3A_181 : memref<32x64xf32, #tpu.memory_space<vmem_shared>>)
      tpu.yield
    }) : () -> ()
    %mul3A_33 = arith.constant 640 : i32
    %mul3A_34 = arith.muli %arg1, %mul3A_33 : i32
    %add3A_35 = arith.constant 160 : i32
    %add3A_36 = arith.addi %mul3A_34, %add3A_35 : i32
    "tpu.region"() ({
      %run_scoped3A_173 = tpu.sem_alloc : memref<!tpu.dma_semaphore, #tpu.memory_space<semaphore_mem>>
      %dma_start3A_174 = arith.constant 0 : i32
      %dma_start3A_175 = tpu.memref_slice %arg6[%add3A_36, %dma_start3A_174] : memref<10240x64xf32, #tpu.memory_space<vmem_shared>> -> memref<32x64xf32, #tpu.memory_space<vmem_shared>>
      %dma_start3A_176 = arith.constant 0 : i32
      %dma_start3A_177 = tpu.memref_slice %arg6[%add3A_36, %dma_start3A_176] : memref<10240x64xf32, #tpu.memory_space<vmem_shared>> -> memref<32x64xf32, #tpu.memory_space<vmem_shared>>
      tpu.enqueue_dma source(%arg11 : memref<32x64xf32, #tpu.memory_space<vmem>>) target(%dma_start3A_177 : memref<32x64xf32, #tpu.memory_space<vmem_shared>>) target_semaphore(%run_scoped3A_173 : memref<!tpu.dma_semaphore, #tpu.memory_space<semaphore_mem>>)
      %dma_wait3A_178 = arith.constant 0 : i32
      %dma_wait3A_179 = tpu.memref_slice %arg6[%add3A_36, %dma_wait3A_178] : memref<10240x64xf32, #tpu.memory_space<vmem_shared>> -> memref<32x64xf32, #tpu.memory_space<vmem_shared>>
      %dma_wait3A_180 = arith.constant 0 : i32
      %dma_wait3A_181 = tpu.memref_slice %arg6[%add3A_36, %dma_wait3A_180] : memref<10240x64xf32, #tpu.memory_space<vmem_shared>> -> memref<32x64xf32, #tpu.memory_space<vmem_shared>>
      tpu.wait_dma2 semaphore(%run_scoped3A_173 : memref<!tpu.dma_semaphore, #tpu.memory_space<semaphore_mem>>) src(%arg11 : memref<32x64xf32, #tpu.memory_space<vmem>>) dst(%dma_wait3A_181 : memref<32x64xf32, #tpu.memory_space<vmem_shared>>)
      tpu.yield
    }) : () -> ()
    %mul3A_37 = arith.constant 640 : i32
    %mul3A_38 = arith.muli %arg1, %mul3A_37 : i32
    %add3A_39 = arith.constant 192 : i32
    %add3A_40 = arith.addi %mul3A_38, %add3A_39 : i32
    "tpu.region"() ({
      %run_scoped3A_173 = tpu.sem_alloc : memref<!tpu.dma_semaphore, #tpu.memory_space<semaphore_mem>>
      %dma_start3A_174 = arith.constant 0 : i32
      %dma_start3A_175 = tpu.memref_slice %arg6[%add3A_40, %dma_start3A_174] : memref<10240x64xf32, #tpu.memory_space<vmem_shared>> -> memref<32x64xf32, #tpu.memory_space<vmem_shared>>
      %dma_start3A_176 = arith.constant 0 : i32
      %dma_start3A_177 = tpu.memref_slice %arg6[%add3A_40, %dma_start3A_176] : memref<10240x64xf32, #tpu.memory_space<vmem_shared>> -> memref<32x64xf32, #tpu.memory_space<vmem_shared>>
      tpu.enqueue_dma source(%arg11 : memref<32x64xf32, #tpu.memory_space<vmem>>) target(%dma_start3A_177 : memref<32x64xf32, #tpu.memory_space<vmem_shared>>) target_semaphore(%run_scoped3A_173 : memref<!tpu.dma_semaphore, #tpu.memory_space<semaphore_mem>>)
      %dma_wait3A_178 = arith.constant 0 : i32
      %dma_wait3A_179 = tpu.memref_slice %arg6[%add3A_40, %dma_wait3A_178] : memref<10240x64xf32, #tpu.memory_space<vmem_shared>> -> memref<32x64xf32, #tpu.memory_space<vmem_shared>>
      %dma_wait3A_180 = arith.constant 0 : i32
      %dma_wait3A_181 = tpu.memref_slice %arg6[%add3A_40, %dma_wait3A_180] : memref<10240x64xf32, #tpu.memory_space<vmem_shared>> -> memref<32x64xf32, #tpu.memory_space<vmem_shared>>
      tpu.wait_dma2 semaphore(%run_scoped3A_173 : memref<!tpu.dma_semaphore, #tpu.memory_space<semaphore_mem>>) src(%arg11 : memref<32x64xf32, #tpu.memory_space<vmem>>) dst(%dma_wait3A_181 : memref<32x64xf32, #tpu.memory_space<vmem_shared>>)
      tpu.yield
    }) : () -> ()
    %mul3A_41 = arith.constant 640 : i32
    %mul3A_42 = arith.muli %arg1, %mul3A_41 : i32
    %add3A_43 = arith.constant 224 : i32
    %add3A_44 = arith.addi %mul3A_42, %add3A_43 : i32
    "tpu.region"() ({
      %run_scoped3A_173 = tpu.sem_alloc : memref<!tpu.dma_semaphore, #tpu.memory_space<semaphore_mem>>
      %dma_start3A_174 = arith.constant 0 : i32
      %dma_start3A_175 = tpu.memref_slice %arg6[%add3A_44, %dma_start3A_174] : memref<10240x64xf32, #tpu.memory_space<vmem_shared>> -> memref<32x64xf32, #tpu.memory_space<vmem_shared>>
      %dma_start3A_176 = arith.constant 0 : i32
      %dma_start3A_177 = tpu.memref_slice %arg6[%add3A_44, %dma_start3A_176] : memref<10240x64xf32, #tpu.memory_space<vmem_shared>> -> memref<32x64xf32, #tpu.memory_space<vmem_shared>>
      tpu.enqueue_dma source(%arg11 : memref<32x64xf32, #tpu.memory_space<vmem>>) target(%dma_start3A_177 : memref<32x64xf32, #tpu.memory_space<vmem_shared>>) target_semaphore(%run_scoped3A_173 : memref<!tpu.dma_semaphore, #tpu.memory_space<semaphore_mem>>)
      %dma_wait3A_178 = arith.constant 0 : i32
      %dma_wait3A_179 = tpu.memref_slice %arg6[%add3A_44, %dma_wait3A_178] : memref<10240x64xf32, #tpu.memory_space<vmem_shared>> -> memref<32x64xf32, #tpu.memory_space<vmem_shared>>
      %dma_wait3A_180 = arith.constant 0 : i32
      %dma_wait3A_181 = tpu.memref_slice %arg6[%add3A_44, %dma_wait3A_180] : memref<10240x64xf32, #tpu.memory_space<vmem_shared>> -> memref<32x64xf32, #tpu.memory_space<vmem_shared>>
      tpu.wait_dma2 semaphore(%run_scoped3A_173 : memref<!tpu.dma_semaphore, #tpu.memory_space<semaphore_mem>>) src(%arg11 : memref<32x64xf32, #tpu.memory_space<vmem>>) dst(%dma_wait3A_181 : memref<32x64xf32, #tpu.memory_space<vmem_shared>>)
      tpu.yield
    }) : () -> ()
    %mul3A_45 = arith.constant 640 : i32
    %mul3A_46 = arith.muli %arg1, %mul3A_45 : i32
    %add3A_47 = arith.constant 256 : i32
    %add3A_48 = arith.addi %mul3A_46, %add3A_47 : i32
    "tpu.region"() ({
      %run_scoped3A_173 = tpu.sem_alloc : memref<!tpu.dma_semaphore, #tpu.memory_space<semaphore_mem>>
      %dma_start3A_174 = arith.constant 0 : i32
      %dma_start3A_175 = tpu.memref_slice %arg6[%add3A_48, %dma_start3A_174] : memref<10240x64xf32, #tpu.memory_space<vmem_shared>> -> memref<32x64xf32, #tpu.memory_space<vmem_shared>>
      %dma_start3A_176 = arith.constant 0 : i32
      %dma_start3A_177 = tpu.memref_slice %arg6[%add3A_48, %dma_start3A_176] : memref<10240x64xf32, #tpu.memory_space<vmem_shared>> -> memref<32x64xf32, #tpu.memory_space<vmem_shared>>
      tpu.enqueue_dma source(%arg11 : memref<32x64xf32, #tpu.memory_space<vmem>>) target(%dma_start3A_177 : memref<32x64xf32, #tpu.memory_space<vmem_shared>>) target_semaphore(%run_scoped3A_173 : memref<!tpu.dma_semaphore, #tpu.memory_space<semaphore_mem>>)
      %dma_wait3A_178 = arith.constant 0 : i32
      %dma_wait3A_179 = tpu.memref_slice %arg6[%add3A_48, %dma_wait3A_178] : memref<10240x64xf32, #tpu.memory_space<vmem_shared>> -> memref<32x64xf32, #tpu.memory_space<vmem_shared>>
      %dma_wait3A_180 = arith.constant 0 : i32
      %dma_wait3A_181 = tpu.memref_slice %arg6[%add3A_48, %dma_wait3A_180] : memref<10240x64xf32, #tpu.memory_space<vmem_shared>> -> memref<32x64xf32, #tpu.memory_space<vmem_shared>>
      tpu.wait_dma2 semaphore(%run_scoped3A_173 : memref<!tpu.dma_semaphore, #tpu.memory_space<semaphore_mem>>) src(%arg11 : memref<32x64xf32, #tpu.memory_space<vmem>>) dst(%dma_wait3A_181 : memref<32x64xf32, #tpu.memory_space<vmem_shared>>)
      tpu.yield
    }) : () -> ()
    %mul3A_49 = arith.constant 640 : i32
    %mul3A_50 = arith.muli %arg1, %mul3A_49 : i32
    %add3A_51 = arith.constant 288 : i32
    %add3A_52 = arith.addi %mul3A_50, %add3A_51 : i32
    "tpu.region"() ({
      %run_scoped3A_173 = tpu.sem_alloc : memref<!tpu.dma_semaphore, #tpu.memory_space<semaphore_mem>>
      %dma_start3A_174 = arith.constant 0 : i32
      %dma_start3A_175 = tpu.memref_slice %arg6[%add3A_52, %dma_start3A_174] : memref<10240x64xf32, #tpu.memory_space<vmem_shared>> -> memref<32x64xf32, #tpu.memory_space<vmem_shared>>
      %dma_start3A_176 = arith.constant 0 : i32
      %dma_start3A_177 = tpu.memref_slice %arg6[%add3A_52, %dma_start3A_176] : memref<10240x64xf32, #tpu.memory_space<vmem_shared>> -> memref<32x64xf32, #tpu.memory_space<vmem_shared>>
      tpu.enqueue_dma source(%arg11 : memref<32x64xf32, #tpu.memory_space<vmem>>) target(%dma_start3A_177 : memref<32x64xf32, #tpu.memory_space<vmem_shared>>) target_semaphore(%run_scoped3A_173 : memref<!tpu.dma_semaphore, #tpu.memory_space<semaphore_mem>>)
      %dma_wait3A_178 = arith.constant 0 : i32
      %dma_wait3A_179 = tpu.memref_slice %arg6[%add3A_52, %dma_wait3A_178] : memref<10240x64xf32, #tpu.memory_space<vmem_shared>> -> memref<32x64xf32, #tpu.memory_space<vmem_shared>>
      %dma_wait3A_180 = arith.constant 0 : i32
      %dma_wait3A_181 = tpu.memref_slice %arg6[%add3A_52, %dma_wait3A_180] : memref<10240x64xf32, #tpu.memory_space<vmem_shared>> -> memref<32x64xf32, #tpu.memory_space<vmem_shared>>
      tpu.wait_dma2 semaphore(%run_scoped3A_173 : memref<!tpu.dma_semaphore, #tpu.memory_space<semaphore_mem>>) src(%arg11 : memref<32x64xf32, #tpu.memory_space<vmem>>) dst(%dma_wait3A_181 : memref<32x64xf32, #tpu.memory_space<vmem_shared>>)
      tpu.yield
    }) : () -> ()
    %mul3A_53 = arith.constant 640 : i32
    %mul3A_54 = arith.muli %arg1, %mul3A_53 : i32
    %add3A_55 = arith.constant 320 : i32
    %add3A_56 = arith.addi %mul3A_54, %add3A_55 : i32
    "tpu.region"() ({
      %run_scoped3A_173 = tpu.sem_alloc : memref<!tpu.dma_semaphore, #tpu.memory_space<semaphore_mem>>
      %dma_start3A_174 = arith.constant 0 : i32
      %dma_start3A_175 = tpu.memref_slice %arg6[%add3A_56, %dma_start3A_174] : memref<10240x64xf32, #tpu.memory_space<vmem_shared>> -> memref<32x64xf32, #tpu.memory_space<vmem_shared>>
      %dma_start3A_176 = arith.constant 0 : i32
      %dma_start3A_177 = tpu.memref_slice %arg6[%add3A_56, %dma_start3A_176] : memref<10240x64xf32, #tpu.memory_space<vmem_shared>> -> memref<32x64xf32, #tpu.memory_space<vmem_shared>>
      tpu.enqueue_dma source(%arg11 : memref<32x64xf32, #tpu.memory_space<vmem>>) target(%dma_start3A_177 : memref<32x64xf32, #tpu.memory_space<vmem_shared>>) target_semaphore(%run_scoped3A_173 : memref<!tpu.dma_semaphore, #tpu.memory_space<semaphore_mem>>)
      %dma_wait3A_178 = arith.constant 0 : i32
      %dma_wait3A_179 = tpu.memref_slice %arg6[%add3A_56, %dma_wait3A_178] : memref<10240x64xf32, #tpu.memory_space<vmem_shared>> -> memref<32x64xf32, #tpu.memory_space<vmem_shared>>
      %dma_wait3A_180 = arith.constant 0 : i32
      %dma_wait3A_181 = tpu.memref_slice %arg6[%add3A_56, %dma_wait3A_180] : memref<10240x64xf32, #tpu.memory_space<vmem_shared>> -> memref<32x64xf32, #tpu.memory_space<vmem_shared>>
      tpu.wait_dma2 semaphore(%run_scoped3A_173 : memref<!tpu.dma_semaphore, #tpu.memory_space<semaphore_mem>>) src(%arg11 : memref<32x64xf32, #tpu.memory_space<vmem>>) dst(%dma_wait3A_181 : memref<32x64xf32, #tpu.memory_space<vmem_shared>>)
      tpu.yield
    }) : () -> ()
    %mul3A_57 = arith.constant 640 : i32
    %mul3A_58 = arith.muli %arg1, %mul3A_57 : i32
    %add3A_59 = arith.constant 352 : i32
    %add3A_60 = arith.addi %mul3A_58, %add3A_59 : i32
    "tpu.region"() ({
      %run_scoped3A_173 = tpu.sem_alloc : memref<!tpu.dma_semaphore, #tpu.memory_space<semaphore_mem>>
      %dma_start3A_174 = arith.constant 0 : i32
      %dma_start3A_175 = tpu.memref_slice %arg6[%add3A_60, %dma_start3A_174] : memref<10240x64xf32, #tpu.memory_space<vmem_shared>> -> memref<32x64xf32, #tpu.memory_space<vmem_shared>>
      %dma_start3A_176 = arith.constant 0 : i32
      %dma_start3A_177 = tpu.memref_slice %arg6[%add3A_60, %dma_start3A_176] : memref<10240x64xf32, #tpu.memory_space<vmem_shared>> -> memref<32x64xf32, #tpu.memory_space<vmem_shared>>
      tpu.enqueue_dma source(%arg11 : memref<32x64xf32, #tpu.memory_space<vmem>>) target(%dma_start3A_177 : memref<32x64xf32, #tpu.memory_space<vmem_shared>>) target_semaphore(%run_scoped3A_173 : memref<!tpu.dma_semaphore, #tpu.memory_space<semaphore_mem>>)
      %dma_wait3A_178 = arith.constant 0 : i32
      %dma_wait3A_179 = tpu.memref_slice %arg6[%add3A_60, %dma_wait3A_178] : memref<10240x64xf32, #tpu.memory_space<vmem_shared>> -> memref<32x64xf32, #tpu.memory_space<vmem_shared>>
      %dma_wait3A_180 = arith.constant 0 : i32
      %dma_wait3A_181 = tpu.memref_slice %arg6[%add3A_60, %dma_wait3A_180] : memref<10240x64xf32, #tpu.memory_space<vmem_shared>> -> memref<32x64xf32, #tpu.memory_space<vmem_shared>>
      tpu.wait_dma2 semaphore(%run_scoped3A_173 : memref<!tpu.dma_semaphore, #tpu.memory_space<semaphore_mem>>) src(%arg11 : memref<32x64xf32, #tpu.memory_space<vmem>>) dst(%dma_wait3A_181 : memref<32x64xf32, #tpu.memory_space<vmem_shared>>)
      tpu.yield
    }) : () -> ()
    %mul3A_61 = arith.constant 640 : i32
    %mul3A_62 = arith.muli %arg1, %mul3A_61 : i32
    %add3A_63 = arith.constant 384 : i32
    %add3A_64 = arith.addi %mul3A_62, %add3A_63 : i32
    "tpu.region"() ({
      %run_scoped3A_173 = tpu.sem_alloc : memref<!tpu.dma_semaphore, #tpu.memory_space<semaphore_mem>>
      %dma_start3A_174 = arith.constant 0 : i32
      %dma_start3A_175 = tpu.memref_slice %arg6[%add3A_64, %dma_start3A_174] : memref<10240x64xf32, #tpu.memory_space<vmem_shared>> -> memref<32x64xf32, #tpu.memory_space<vmem_shared>>
      %dma_start3A_176 = arith.constant 0 : i32
      %dma_start3A_177 = tpu.memref_slice %arg6[%add3A_64, %dma_start3A_176] : memref<10240x64xf32, #tpu.memory_space<vmem_shared>> -> memref<32x64xf32, #tpu.memory_space<vmem_shared>>
      tpu.enqueue_dma source(%arg11 : memref<32x64xf32, #tpu.memory_space<vmem>>) target(%dma_start3A_177 : memref<32x64xf32, #tpu.memory_space<vmem_shared>>) target_semaphore(%run_scoped3A_173 : memref<!tpu.dma_semaphore, #tpu.memory_space<semaphore_mem>>)
      %dma_wait3A_178 = arith.constant 0 : i32
      %dma_wait3A_179 = tpu.memref_slice %arg6[%add3A_64, %dma_wait3A_178] : memref<10240x64xf32, #tpu.memory_space<vmem_shared>> -> memref<32x64xf32, #tpu.memory_space<vmem_shared>>
      %dma_wait3A_180 = arith.constant 0 : i32
      %dma_wait3A_181 = tpu.memref_slice %arg6[%add3A_64, %dma_wait3A_180] : memref<10240x64xf32, #tpu.memory_space<vmem_shared>> -> memref<32x64xf32, #tpu.memory_space<vmem_shared>>
      tpu.wait_dma2 semaphore(%run_scoped3A_173 : memref<!tpu.dma_semaphore, #tpu.memory_space<semaphore_mem>>) src(%arg11 : memref<32x64xf32, #tpu.memory_space<vmem>>) dst(%dma_wait3A_181 : memref<32x64xf32, #tpu.memory_space<vmem_shared>>)
      tpu.yield
    }) : () -> ()
    %mul3A_65 = arith.constant 640 : i32
    %mul3A_66 = arith.muli %arg1, %mul3A_65 : i32
    %add3A_67 = arith.constant 416 : i32
    %add3A_68 = arith.addi %mul3A_66, %add3A_67 : i32
    "tpu.region"() ({
      %run_scoped3A_173 = tpu.sem_alloc : memref<!tpu.dma_semaphore, #tpu.memory_space<semaphore_mem>>
      %dma_start3A_174 = arith.constant 0 : i32
      %dma_start3A_175 = tpu.memref_slice %arg6[%add3A_68, %dma_start3A_174] : memref<10240x64xf32, #tpu.memory_space<vmem_shared>> -> memref<32x64xf32, #tpu.memory_space<vmem_shared>>
      %dma_start3A_176 = arith.constant 0 : i32
      %dma_start3A_177 = tpu.memref_slice %arg6[%add3A_68, %dma_start3A_176] : memref<10240x64xf32, #tpu.memory_space<vmem_shared>> -> memref<32x64xf32, #tpu.memory_space<vmem_shared>>
      tpu.enqueue_dma source(%arg11 : memref<32x64xf32, #tpu.memory_space<vmem>>) target(%dma_start3A_177 : memref<32x64xf32, #tpu.memory_space<vmem_shared>>) target_semaphore(%run_scoped3A_173 : memref<!tpu.dma_semaphore, #tpu.memory_space<semaphore_mem>>)
      %dma_wait3A_178 = arith.constant 0 : i32
      %dma_wait3A_179 = tpu.memref_slice %arg6[%add3A_68, %dma_wait3A_178] : memref<10240x64xf32, #tpu.memory_space<vmem_shared>> -> memref<32x64xf32, #tpu.memory_space<vmem_shared>>
      %dma_wait3A_180 = arith.constant 0 : i32
      %dma_wait3A_181 = tpu.memref_slice %arg6[%add3A_68, %dma_wait3A_180] : memref<10240x64xf32, #tpu.memory_space<vmem_shared>> -> memref<32x64xf32, #tpu.memory_space<vmem_shared>>
      tpu.wait_dma2 semaphore(%run_scoped3A_173 : memref<!tpu.dma_semaphore, #tpu.memory_space<semaphore_mem>>) src(%arg11 : memref<32x64xf32, #tpu.memory_space<vmem>>) dst(%dma_wait3A_181 : memref<32x64xf32, #tpu.memory_space<vmem_shared>>)
      tpu.yield
    }) : () -> ()
    %mul3A_69 = arith.constant 640 : i32
    %mul3A_70 = arith.muli %arg1, %mul3A_69 : i32
    %add3A_71 = arith.constant 448 : i32
    %add3A_72 = arith.addi %mul3A_70, %add3A_71 : i32
    "tpu.region"() ({
      %run_scoped3A_173 = tpu.sem_alloc : memref<!tpu.dma_semaphore, #tpu.memory_space<semaphore_mem>>
      %dma_start3A_174 = arith.constant 0 : i32
      %dma_start3A_175 = tpu.memref_slice %arg6[%add3A_72, %dma_start3A_174] : memref<10240x64xf32, #tpu.memory_space<vmem_shared>> -> memref<32x64xf32, #tpu.memory_space<vmem_shared>>
      %dma_start3A_176 = arith.constant 0 : i32
      %dma_start3A_177 = tpu.memref_slice %arg6[%add3A_72, %dma_start3A_176] : memref<10240x64xf32, #tpu.memory_space<vmem_shared>> -> memref<32x64xf32, #tpu.memory_space<vmem_shared>>
      tpu.enqueue_dma source(%arg11 : memref<32x64xf32, #tpu.memory_space<vmem>>) target(%dma_start3A_177 : memref<32x64xf32, #tpu.memory_space<vmem_shared>>) target_semaphore(%run_scoped3A_173 : memref<!tpu.dma_semaphore, #tpu.memory_space<semaphore_mem>>)
      %dma_wait3A_178 = arith.constant 0 : i32
      %dma_wait3A_179 = tpu.memref_slice %arg6[%add3A_72, %dma_wait3A_178] : memref<10240x64xf32, #tpu.memory_space<vmem_shared>> -> memref<32x64xf32, #tpu.memory_space<vmem_shared>>
      %dma_wait3A_180 = arith.constant 0 : i32
      %dma_wait3A_181 = tpu.memref_slice %arg6[%add3A_72, %dma_wait3A_180] : memref<10240x64xf32, #tpu.memory_space<vmem_shared>> -> memref<32x64xf32, #tpu.memory_space<vmem_shared>>
      tpu.wait_dma2 semaphore(%run_scoped3A_173 : memref<!tpu.dma_semaphore, #tpu.memory_space<semaphore_mem>>) src(%arg11 : memref<32x64xf32, #tpu.memory_space<vmem>>) dst(%dma_wait3A_181 : memref<32x64xf32, #tpu.memory_space<vmem_shared>>)
      tpu.yield
    }) : () -> ()
    %mul3A_73 = arith.constant 640 : i32
    %mul3A_74 = arith.muli %arg1, %mul3A_73 : i32
    %add3A_75 = arith.constant 480 : i32
    %add3A_76 = arith.addi %mul3A_74, %add3A_75 : i32
    "tpu.region"() ({
      %run_scoped3A_173 = tpu.sem_alloc : memref<!tpu.dma_semaphore, #tpu.memory_space<semaphore_mem>>
      %dma_start3A_174 = arith.constant 0 : i32
      %dma_start3A_175 = tpu.memref_slice %arg6[%add3A_76, %dma_start3A_174] : memref<10240x64xf32, #tpu.memory_space<vmem_shared>> -> memref<32x64xf32, #tpu.memory_space<vmem_shared>>
      %dma_start3A_176 = arith.constant 0 : i32
      %dma_start3A_177 = tpu.memref_slice %arg6[%add3A_76, %dma_start3A_176] : memref<10240x64xf32, #tpu.memory_space<vmem_shared>> -> memref<32x64xf32, #tpu.memory_space<vmem_shared>>
      tpu.enqueue_dma source(%arg11 : memref<32x64xf32, #tpu.memory_space<vmem>>) target(%dma_start3A_177 : memref<32x64xf32, #tpu.memory_space<vmem_shared>>) target_semaphore(%run_scoped3A_173 : memref<!tpu.dma_semaphore, #tpu.memory_space<semaphore_mem>>)
      %dma_wait3A_178 = arith.constant 0 : i32
      %dma_wait3A_179 = tpu.memref_slice %arg6[%add3A_76, %dma_wait3A_178] : memref<10240x64xf32, #tpu.memory_space<vmem_shared>> -> memref<32x64xf32, #tpu.memory_space<vmem_shared>>
      %dma_wait3A_180 = arith.constant 0 : i32
      %dma_wait3A_181 = tpu.memref_slice %arg6[%add3A_76, %dma_wait3A_180] : memref<10240x64xf32, #tpu.memory_space<vmem_shared>> -> memref<32x64xf32, #tpu.memory_space<vmem_shared>>
      tpu.wait_dma2 semaphore(%run_scoped3A_173 : memref<!tpu.dma_semaphore, #tpu.memory_space<semaphore_mem>>) src(%arg11 : memref<32x64xf32, #tpu.memory_space<vmem>>) dst(%dma_wait3A_181 : memref<32x64xf32, #tpu.memory_space<vmem_shared>>)
      tpu.yield
    }) : () -> ()
    %mul3A_77 = arith.constant 640 : i32
    %mul3A_78 = arith.muli %arg1, %mul3A_77 : i32
    %add3A_79 = arith.constant 512 : i32
    %add3A_80 = arith.addi %mul3A_78, %add3A_79 : i32
    "tpu.region"() ({
      %run_scoped3A_173 = tpu.sem_alloc : memref<!tpu.dma_semaphore, #tpu.memory_space<semaphore_mem>>
      %dma_start3A_174 = arith.constant 0 : i32
      %dma_start3A_175 = tpu.memref_slice %arg6[%add3A_80, %dma_start3A_174] : memref<10240x64xf32, #tpu.memory_space<vmem_shared>> -> memref<32x64xf32, #tpu.memory_space<vmem_shared>>
      %dma_start3A_176 = arith.constant 0 : i32
      %dma_start3A_177 = tpu.memref_slice %arg6[%add3A_80, %dma_start3A_176] : memref<10240x64xf32, #tpu.memory_space<vmem_shared>> -> memref<32x64xf32, #tpu.memory_space<vmem_shared>>
      tpu.enqueue_dma source(%arg11 : memref<32x64xf32, #tpu.memory_space<vmem>>) target(%dma_start3A_177 : memref<32x64xf32, #tpu.memory_space<vmem_shared>>) target_semaphore(%run_scoped3A_173 : memref<!tpu.dma_semaphore, #tpu.memory_space<semaphore_mem>>)
      %dma_wait3A_178 = arith.constant 0 : i32
      %dma_wait3A_179 = tpu.memref_slice %arg6[%add3A_80, %dma_wait3A_178] : memref<10240x64xf32, #tpu.memory_space<vmem_shared>> -> memref<32x64xf32, #tpu.memory_space<vmem_shared>>
      %dma_wait3A_180 = arith.constant 0 : i32
      %dma_wait3A_181 = tpu.memref_slice %arg6[%add3A_80, %dma_wait3A_180] : memref<10240x64xf32, #tpu.memory_space<vmem_shared>> -> memref<32x64xf32, #tpu.memory_space<vmem_shared>>
      tpu.wait_dma2 semaphore(%run_scoped3A_173 : memref<!tpu.dma_semaphore, #tpu.memory_space<semaphore_mem>>) src(%arg11 : memref<32x64xf32, #tpu.memory_space<vmem>>) dst(%dma_wait3A_181 : memref<32x64xf32, #tpu.memory_space<vmem_shared>>)
      tpu.yield
    }) : () -> ()
    %mul3A_81 = arith.constant 640 : i32
    %mul3A_82 = arith.muli %arg1, %mul3A_81 : i32
    %add3A_83 = arith.constant 544 : i32
    %add3A_84 = arith.addi %mul3A_82, %add3A_83 : i32
    "tpu.region"() ({
      %run_scoped3A_173 = tpu.sem_alloc : memref<!tpu.dma_semaphore, #tpu.memory_space<semaphore_mem>>
      %dma_start3A_174 = arith.constant 0 : i32
      %dma_start3A_175 = tpu.memref_slice %arg6[%add3A_84, %dma_start3A_174] : memref<10240x64xf32, #tpu.memory_space<vmem_shared>> -> memref<32x64xf32, #tpu.memory_space<vmem_shared>>
      %dma_start3A_176 = arith.constant 0 : i32
      %dma_start3A_177 = tpu.memref_slice %arg6[%add3A_84, %dma_start3A_176] : memref<10240x64xf32, #tpu.memory_space<vmem_shared>> -> memref<32x64xf32, #tpu.memory_space<vmem_shared>>
      tpu.enqueue_dma source(%arg11 : memref<32x64xf32, #tpu.memory_space<vmem>>) target(%dma_start3A_177 : memref<32x64xf32, #tpu.memory_space<vmem_shared>>) target_semaphore(%run_scoped3A_173 : memref<!tpu.dma_semaphore, #tpu.memory_space<semaphore_mem>>)
      %dma_wait3A_178 = arith.constant 0 : i32
      %dma_wait3A_179 = tpu.memref_slice %arg6[%add3A_84, %dma_wait3A_178] : memref<10240x64xf32, #tpu.memory_space<vmem_shared>> -> memref<32x64xf32, #tpu.memory_space<vmem_shared>>
      %dma_wait3A_180 = arith.constant 0 : i32
      %dma_wait3A_181 = tpu.memref_slice %arg6[%add3A_84, %dma_wait3A_180] : memref<10240x64xf32, #tpu.memory_space<vmem_shared>> -> memref<32x64xf32, #tpu.memory_space<vmem_shared>>
      tpu.wait_dma2 semaphore(%run_scoped3A_173 : memref<!tpu.dma_semaphore, #tpu.memory_space<semaphore_mem>>) src(%arg11 : memref<32x64xf32, #tpu.memory_space<vmem>>) dst(%dma_wait3A_181 : memref<32x64xf32, #tpu.memory_space<vmem_shared>>)
      tpu.yield
    }) : () -> ()
    %mul3A_85 = arith.constant 640 : i32
    %mul3A_86 = arith.muli %arg1, %mul3A_85 : i32
    %add3A_87 = arith.constant 576 : i32
    %add3A_88 = arith.addi %mul3A_86, %add3A_87 : i32
    "tpu.region"() ({
      %run_scoped3A_173 = tpu.sem_alloc : memref<!tpu.dma_semaphore, #tpu.memory_space<semaphore_mem>>
      %dma_start3A_174 = arith.constant 0 : i32
      %dma_start3A_175 = tpu.memref_slice %arg6[%add3A_88, %dma_start3A_174] : memref<10240x64xf32, #tpu.memory_space<vmem_shared>> -> memref<32x64xf32, #tpu.memory_space<vmem_shared>>
      %dma_start3A_176 = arith.constant 0 : i32
      %dma_start3A_177 = tpu.memref_slice %arg6[%add3A_88, %dma_start3A_176] : memref<10240x64xf32, #tpu.memory_space<vmem_shared>> -> memref<32x64xf32, #tpu.memory_space<vmem_shared>>
      tpu.enqueue_dma source(%arg11 : memref<32x64xf32, #tpu.memory_space<vmem>>) target(%dma_start3A_177 : memref<32x64xf32, #tpu.memory_space<vmem_shared>>) target_semaphore(%run_scoped3A_173 : memref<!tpu.dma_semaphore, #tpu.memory_space<semaphore_mem>>)
      %dma_wait3A_178 = arith.constant 0 : i32
      %dma_wait3A_179 = tpu.memref_slice %arg6[%add3A_88, %dma_wait3A_178] : memref<10240x64xf32, #tpu.memory_space<vmem_shared>> -> memref<32x64xf32, #tpu.memory_space<vmem_shared>>
      %dma_wait3A_180 = arith.constant 0 : i32
      %dma_wait3A_181 = tpu.memref_slice %arg6[%add3A_88, %dma_wait3A_180] : memref<10240x64xf32, #tpu.memory_space<vmem_shared>> -> memref<32x64xf32, #tpu.memory_space<vmem_shared>>
      tpu.wait_dma2 semaphore(%run_scoped3A_173 : memref<!tpu.dma_semaphore, #tpu.memory_space<semaphore_mem>>) src(%arg11 : memref<32x64xf32, #tpu.memory_space<vmem>>) dst(%dma_wait3A_181 : memref<32x64xf32, #tpu.memory_space<vmem_shared>>)
      tpu.yield
    }) : () -> ()
    %mul3A_89 = arith.constant 640 : i32
    %mul3A_90 = arith.muli %arg1, %mul3A_89 : i32
    %add3A_91 = arith.constant 608 : i32
    %add3A_92 = arith.addi %mul3A_90, %add3A_91 : i32
    "tpu.region"() ({
      %run_scoped3A_173 = tpu.sem_alloc : memref<!tpu.dma_semaphore, #tpu.memory_space<semaphore_mem>>
      %dma_start3A_174 = arith.constant 0 : i32
      %dma_start3A_175 = tpu.memref_slice %arg6[%add3A_92, %dma_start3A_174] : memref<10240x64xf32, #tpu.memory_space<vmem_shared>> -> memref<32x64xf32, #tpu.memory_space<vmem_shared>>
      %dma_start3A_176 = arith.constant 0 : i32
      %dma_start3A_177 = tpu.memref_slice %arg6[%add3A_92, %dma_start3A_176] : memref<10240x64xf32, #tpu.memory_space<vmem_shared>> -> memref<32x64xf32, #tpu.memory_space<vmem_shared>>
      tpu.enqueue_dma source(%arg11 : memref<32x64xf32, #tpu.memory_space<vmem>>) target(%dma_start3A_177 : memref<32x64xf32, #tpu.memory_space<vmem_shared>>) target_semaphore(%run_scoped3A_173 : memref<!tpu.dma_semaphore, #tpu.memory_space<semaphore_mem>>)
      %dma_wait3A_178 = arith.constant 0 : i32
      %dma_wait3A_179 = tpu.memref_slice %arg6[%add3A_92, %dma_wait3A_178] : memref<10240x64xf32, #tpu.memory_space<vmem_shared>> -> memref<32x64xf32, #tpu.memory_space<vmem_shared>>
      %dma_wait3A_180 = arith.constant 0 : i32
      %dma_wait3A_181 = tpu.memref_slice %arg6[%add3A_92, %dma_wait3A_180] : memref<10240x64xf32, #tpu.memory_space<vmem_shared>> -> memref<32x64xf32, #tpu.memory_space<vmem_shared>>
      tpu.wait_dma2 semaphore(%run_scoped3A_173 : memref<!tpu.dma_semaphore, #tpu.memory_space<semaphore_mem>>) src(%arg11 : memref<32x64xf32, #tpu.memory_space<vmem>>) dst(%dma_wait3A_181 : memref<32x64xf32, #tpu.memory_space<vmem_shared>>)
      tpu.yield
    }) : () -> ()
    %mul3A_93 = arith.constant 10000 : i32
    %mul3A_94 = arith.muli %add3A, %mul3A_93 : i32
    "tpu.region"() ({
      %run_scoped3A_173 = tpu.sem_alloc : memref<!tpu.dma_semaphore, #tpu.memory_space<semaphore_mem>>
      %dma_start3A_174 = tpu.memref_slice %arg2[%mul3A_94] : memref<320000xi32, #tpu.memory_space<hbm>> -> memref<10000xi32, #tpu.memory_space<hbm>>
      %dma_start3A_175 = tpu.memref_slice %arg2[%mul3A_94] : memref<320000xi32, #tpu.memory_space<hbm>> -> memref<10000xi32, #tpu.memory_space<hbm>>
      tpu.enqueue_dma source(%dma_start3A_175 : memref<10000xi32, #tpu.memory_space<hbm>>) target(%arg8 : memref<10000xi32, #tpu.memory_space<vmem>>) target_semaphore(%run_scoped3A_173 : memref<!tpu.dma_semaphore, #tpu.memory_space<semaphore_mem>>)
      %dma_wait3A_176 = tpu.memref_slice %arg2[%mul3A_94] : memref<320000xi32, #tpu.memory_space<hbm>> -> memref<10000xi32, #tpu.memory_space<hbm>>
      %dma_wait3A_177 = tpu.memref_slice %arg2[%mul3A_94] : memref<320000xi32, #tpu.memory_space<hbm>> -> memref<10000xi32, #tpu.memory_space<hbm>>
      tpu.wait_dma2 semaphore(%run_scoped3A_173 : memref<!tpu.dma_semaphore, #tpu.memory_space<semaphore_mem>>) src(%dma_wait3A_177 : memref<10000xi32, #tpu.memory_space<hbm>>) dst(%arg8 : memref<10000xi32, #tpu.memory_space<vmem>>)
      tpu.yield
    }) : () -> ()
    %mul3A_95 = arith.constant 10000 : i32
    %mul3A_96 = arith.muli %add3A, %mul3A_95 : i32
    "tpu.region"() ({
      %run_scoped3A_173 = tpu.sem_alloc : memref<!tpu.dma_semaphore, #tpu.memory_space<semaphore_mem>>
      %dma_start3A_174 = tpu.memref_slice %arg3[%mul3A_96] : memref<320000xi32, #tpu.memory_space<hbm>> -> memref<10000xi32, #tpu.memory_space<hbm>>
      %dma_start3A_175 = tpu.memref_slice %arg3[%mul3A_96] : memref<320000xi32, #tpu.memory_space<hbm>> -> memref<10000xi32, #tpu.memory_space<hbm>>
      tpu.enqueue_dma source(%dma_start3A_175 : memref<10000xi32, #tpu.memory_space<hbm>>) target(%arg9 : memref<10000xi32, #tpu.memory_space<vmem>>) target_semaphore(%run_scoped3A_173 : memref<!tpu.dma_semaphore, #tpu.memory_space<semaphore_mem>>)
      %dma_wait3A_176 = tpu.memref_slice %arg3[%mul3A_96] : memref<320000xi32, #tpu.memory_space<hbm>> -> memref<10000xi32, #tpu.memory_space<hbm>>
      %dma_wait3A_177 = tpu.memref_slice %arg3[%mul3A_96] : memref<320000xi32, #tpu.memory_space<hbm>> -> memref<10000xi32, #tpu.memory_space<hbm>>
      tpu.wait_dma2 semaphore(%run_scoped3A_173 : memref<!tpu.dma_semaphore, #tpu.memory_space<semaphore_mem>>) src(%dma_wait3A_177 : memref<10000xi32, #tpu.memory_space<hbm>>) dst(%arg9 : memref<10000xi32, #tpu.memory_space<vmem>>)
      tpu.yield
    }) : () -> ()
    %dma_wait3A = arith.constant 0 : i32
    %dma_wait3A_97 = tpu.memref_slice %arg7[%mul3A_9, %dma_wait3A] : memref<10240x64xf32, #tpu.memory_space<vmem_shared>> -> memref<640x64xf32, #tpu.memory_space<vmem_shared>>
    %dma_wait3A_98 = arith.constant 0 : i32
    %dma_wait3A_99 = tpu.memref_slice %arg4[%mul3A_7, %dma_wait3A_98] : memref<10240x128xf32, #tpu.memory_space<hbm>> -> memref<640x64xf32, #tpu.memory_space<hbm>>
    tpu.wait_dma2 semaphore(%arg18 : memref<!tpu.dma_semaphore, #tpu.memory_space<semaphore_mem>>) src(%dma_wait3A_99 : memref<640x64xf32, #tpu.memory_space<hbm>>) dst(%dma_wait3A_97 : memref<640x64xf32, #tpu.memory_space<vmem_shared>>)
    %barrier3A = arith.constant 0 : index
    tpu.barrier barrier_id(%barrier3A)
    %dma_start3A_100 = arith.constant 0 : i32
    %dma_start3A_101 = arith.constant 0 : i32
    %dma_start3A_102 = arith.constant 0 : i32
    %dma_start3A_103 = tpu.memref_slice %arg10[%dma_start3A_100, %dma_start3A_101, %dma_start3A_102] : memref<3x128x64xf32, #tpu.memory_space<vmem>> -> memref<1x128x64xf32, #tpu.memory_space<vmem>>
    %dma_start3A_104 = tpu.memref_squeeze %dma_start3A_103 : memref<1x128x64xf32, #tpu.memory_space<vmem>> -> memref<128x64xf32, #tpu.memory_space<vmem>>
    %dma_start3A_105 = arith.constant 0 : i32
    %dma_start3A_106 = tpu.memref_slice %arg8[%dma_start3A_105] : memref<10000xi32, #tpu.memory_space<vmem>> -> memref<128xi32, #tpu.memory_space<vmem>>
    %dma_start3A_107 = arith.constant 0 : i32
    %dma_start3A_108 = arith.constant 0 : i32
    %dma_start3A_109 = tpu.memref_slice %arg7[%dma_start3A_107, %dma_start3A_108] : memref<10240x64xf32, #tpu.memory_space<vmem_shared>> -> memref<10240x64xf32, #tpu.memory_space<vmem_shared>>
    tpu.enqueue_indirect_dma source(%dma_start3A_109 : memref<10240x64xf32, #tpu.memory_space<vmem_shared>>) target(%dma_start3A_104 : memref<128x64xf32, #tpu.memory_space<vmem>>) offsets(%dma_start3A_106 : memref<128xi32, #tpu.memory_space<vmem>>) semaphore(%arg12 : memref<!tpu.dma_semaphore, #tpu.memory_space<semaphore_mem>>)
    %scan3A_110 = arith.constant 0 : i32
    %scan3A_111 = arith.constant 0 : i32
    %scan3A_112 = arith.constant 26 : i32
    %scan3A_113 = arith.addi %scan3A_111, %scan3A_112 : i32
    %scan3A_114 = arith.constant 1 : i32
    scf.for %scan3A_173 = %scan3A_111 to %scan3A_113 step %scan3A_114  : i32 {
      %mul3A_174 = arith.constant 3 : i32
      %mul3A_175 = arith.muli %mul3A_174, %scan3A_173 : i32
      %add3A_176 = arith.constant 0 : i32
      %add3A_177 = arith.addi %mul3A_175, %add3A_176 : i32
      %add3A_178 = arith.constant 1 : i32
      %add3A_179 = arith.addi %add3A_177, %add3A_178 : i32
      %lt3A = arith.constant 78 : i32
      %lt3A_180 = arith.cmpi slt, %add3A_179, %lt3A : i32
      %convert_element_type3A = arith.extui %lt3A_180 : i1 to i32
      %cond3A = arith.constant 0 : i32
      %cond3A_181 = arith.cmpi ne, %convert_element_type3A, %cond3A : i32
      scf.if %cond3A_181 {
        %ge3A = arith.constant 2 : i32
        %ge3A_266 = arith.cmpi sge, %add3A_177, %ge3A : i32
        %convert_element_type3A_267 = arith.extui %ge3A_266 : i1 to i32
        %cond3A_268 = arith.constant 0 : i32
        %cond3A_269 = arith.cmpi ne, %convert_element_type3A_267, %cond3A_268 : i32
        scf.if %cond3A_269 {
          %sub3A = arith.constant 2 : i32
          %sub3A_283 = arith.subi %add3A_177, %sub3A : i32
          %mul3A_284 = arith.constant 128 : i32
          %mul3A_285 = arith.muli %sub3A_283, %mul3A_284 : i32
          %dma_wait3A_286 = arith.constant 1 : i32
          %dma_wait3A_287 = arith.constant 0 : i32
          %dma_wait3A_288 = arith.constant 0 : i32
          %dma_wait3A_289 = tpu.memref_slice %arg10[%dma_wait3A_286, %dma_wait3A_287, %dma_wait3A_288] : memref<3x128x64xf32, #tpu.memory_space<vmem>> -> memref<1x128x64xf32, #tpu.memory_space<vmem>>
          %dma_wait3A_290 = tpu.memref_squeeze %dma_wait3A_289 : memref<1x128x64xf32, #tpu.memory_space<vmem>> -> memref<128x64xf32, #tpu.memory_space<vmem>>
          %dma_wait3A_291 = tpu.memref_slice %arg9[%mul3A_285] : memref<10000xi32, #tpu.memory_space<vmem>> -> memref<128xi32, #tpu.memory_space<vmem>>
          %dma_wait3A_292 = arith.constant 0 : i32
          %dma_wait3A_293 = arith.constant 0 : i32
          %dma_wait3A_294 = tpu.memref_slice %arg6[%dma_wait3A_292, %dma_wait3A_293] : memref<10240x64xf32, #tpu.memory_space<vmem_shared>> -> memref<10240x64xf32, #tpu.memory_space<vmem_shared>>
          tpu.wait_indirect_dma semaphore(%arg16 : memref<!tpu.dma_semaphore, #tpu.memory_space<semaphore_mem>>) src(%dma_wait3A_290 : memref<128x64xf32, #tpu.memory_space<vmem>>) dst(%dma_wait3A_294 : memref<10240x64xf32, #tpu.memory_space<vmem_shared>>)
        } else {
        }
        %add3A_270 = arith.constant 1 : i32
        %add3A_271 = arith.addi %add3A_177, %add3A_270 : i32
        %mul3A_272 = arith.constant 128 : i32
        %mul3A_273 = arith.muli %add3A_271, %mul3A_272 : i32
        %dma_start3A_274 = arith.constant 1 : i32
        %dma_start3A_275 = arith.constant 0 : i32
        %dma_start3A_276 = arith.constant 0 : i32
        %dma_start3A_277 = tpu.memref_slice %arg10[%dma_start3A_274, %dma_start3A_275, %dma_start3A_276] : memref<3x128x64xf32, #tpu.memory_space<vmem>> -> memref<1x128x64xf32, #tpu.memory_space<vmem>>
        %dma_start3A_278 = tpu.memref_squeeze %dma_start3A_277 : memref<1x128x64xf32, #tpu.memory_space<vmem>> -> memref<128x64xf32, #tpu.memory_space<vmem>>
        %dma_start3A_279 = tpu.memref_slice %arg8[%mul3A_273] : memref<10000xi32, #tpu.memory_space<vmem>> -> memref<128xi32, #tpu.memory_space<vmem>>
        %dma_start3A_280 = arith.constant 0 : i32
        %dma_start3A_281 = arith.constant 0 : i32
        %dma_start3A_282 = tpu.memref_slice %arg7[%dma_start3A_280, %dma_start3A_281] : memref<10240x64xf32, #tpu.memory_space<vmem_shared>> -> memref<10240x64xf32, #tpu.memory_space<vmem_shared>>
        tpu.enqueue_indirect_dma source(%dma_start3A_282 : memref<10240x64xf32, #tpu.memory_space<vmem_shared>>) target(%dma_start3A_278 : memref<128x64xf32, #tpu.memory_space<vmem>>) offsets(%dma_start3A_279 : memref<128xi32, #tpu.memory_space<vmem>>) semaphore(%arg13 : memref<!tpu.dma_semaphore, #tpu.memory_space<semaphore_mem>>)
      } else {
      }
      %mul3A_182 = arith.constant 128 : i32
      %mul3A_183 = arith.muli %add3A_177, %mul3A_182 : i32
      %dma_wait3A_184 = arith.constant 0 : i32
      %dma_wait3A_185 = arith.constant 0 : i32
      %dma_wait3A_186 = arith.constant 0 : i32
      %dma_wait3A_187 = tpu.memref_slice %arg10[%dma_wait3A_184, %dma_wait3A_185, %dma_wait3A_186] : memref<3x128x64xf32, #tpu.memory_space<vmem>> -> memref<1x128x64xf32, #tpu.memory_space<vmem>>
      %dma_wait3A_188 = tpu.memref_squeeze %dma_wait3A_187 : memref<1x128x64xf32, #tpu.memory_space<vmem>> -> memref<128x64xf32, #tpu.memory_space<vmem>>
      %dma_wait3A_189 = tpu.memref_slice %arg8[%mul3A_183] : memref<10000xi32, #tpu.memory_space<vmem>> -> memref<128xi32, #tpu.memory_space<vmem>>
      %dma_wait3A_190 = arith.constant 0 : i32
      %dma_wait3A_191 = arith.constant 0 : i32
      %dma_wait3A_192 = tpu.memref_slice %arg7[%dma_wait3A_190, %dma_wait3A_191] : memref<10240x64xf32, #tpu.memory_space<vmem_shared>> -> memref<10240x64xf32, #tpu.memory_space<vmem_shared>>
      tpu.wait_indirect_dma semaphore(%arg12 : memref<!tpu.dma_semaphore, #tpu.memory_space<semaphore_mem>>) src(%dma_wait3A_192 : memref<10240x64xf32, #tpu.memory_space<vmem_shared>>) dst(%dma_wait3A_188 : memref<128x64xf32, #tpu.memory_space<vmem>>)
      %mul3A_193 = arith.constant 128 : i32
      %mul3A_194 = arith.muli %add3A_177, %mul3A_193 : i32
      %dma_start3A_195 = arith.constant 0 : i32
      %dma_start3A_196 = arith.constant 0 : i32
      %dma_start3A_197 = arith.constant 0 : i32
      %dma_start3A_198 = tpu.memref_slice %arg10[%dma_start3A_195, %dma_start3A_196, %dma_start3A_197] : memref<3x128x64xf32, #tpu.memory_space<vmem>> -> memref<1x128x64xf32, #tpu.memory_space<vmem>>
      %dma_start3A_199 = tpu.memref_squeeze %dma_start3A_198 : memref<1x128x64xf32, #tpu.memory_space<vmem>> -> memref<128x64xf32, #tpu.memory_space<vmem>>
      %dma_start3A_200 = tpu.memref_slice %arg9[%mul3A_194] : memref<10000xi32, #tpu.memory_space<vmem>> -> memref<128xi32, #tpu.memory_space<vmem>>
      %dma_start3A_201 = arith.constant 0 : i32
      %dma_start3A_202 = arith.constant 0 : i32
      %dma_start3A_203 = tpu.memref_slice %arg6[%dma_start3A_201, %dma_start3A_202] : memref<10240x64xf32, #tpu.memory_space<vmem_shared>> -> memref<10240x64xf32, #tpu.memory_space<vmem_shared>>
      tpu.enqueue_indirect_dma source(%dma_start3A_199 : memref<128x64xf32, #tpu.memory_space<vmem>>) target(%dma_start3A_203 : memref<10240x64xf32, #tpu.memory_space<vmem_shared>>) offsets(%dma_start3A_200 : memref<128xi32, #tpu.memory_space<vmem>>) semaphore(%arg15 : memref<!tpu.dma_semaphore, #tpu.memory_space<semaphore_mem>>) {add = true}
      %add3A_204 = arith.constant 1 : i32
      %add3A_205 = arith.addi %mul3A_175, %add3A_204 : i32
      %add3A_206 = arith.constant 1 : i32
      %add3A_207 = arith.addi %add3A_205, %add3A_206 : i32
      %lt3A_208 = arith.constant 78 : i32
      %lt3A_209 = arith.cmpi slt, %add3A_207, %lt3A_208 : i32
      %convert_element_type3A_210 = arith.extui %lt3A_209 : i1 to i32
      %cond3A_211 = arith.constant 0 : i32
      %cond3A_212 = arith.cmpi ne, %convert_element_type3A_210, %cond3A_211 : i32
      scf.if %cond3A_212 {
        %ge3A = arith.constant 2 : i32
        %ge3A_266 = arith.cmpi sge, %add3A_205, %ge3A : i32
        %convert_element_type3A_267 = arith.extui %ge3A_266 : i1 to i32
        %cond3A_268 = arith.constant 0 : i32
        %cond3A_269 = arith.cmpi ne, %convert_element_type3A_267, %cond3A_268 : i32
        scf.if %cond3A_269 {
          %sub3A = arith.constant 2 : i32
          %sub3A_283 = arith.subi %add3A_205, %sub3A : i32
          %mul3A_284 = arith.constant 128 : i32
          %mul3A_285 = arith.muli %sub3A_283, %mul3A_284 : i32
          %dma_wait3A_286 = arith.constant 2 : i32
          %dma_wait3A_287 = arith.constant 0 : i32
          %dma_wait3A_288 = arith.constant 0 : i32
          %dma_wait3A_289 = tpu.memref_slice %arg10[%dma_wait3A_286, %dma_wait3A_287, %dma_wait3A_288] : memref<3x128x64xf32, #tpu.memory_space<vmem>> -> memref<1x128x64xf32, #tpu.memory_space<vmem>>
          %dma_wait3A_290 = tpu.memref_squeeze %dma_wait3A_289 : memref<1x128x64xf32, #tpu.memory_space<vmem>> -> memref<128x64xf32, #tpu.memory_space<vmem>>
          %dma_wait3A_291 = tpu.memref_slice %arg9[%mul3A_285] : memref<10000xi32, #tpu.memory_space<vmem>> -> memref<128xi32, #tpu.memory_space<vmem>>
          %dma_wait3A_292 = arith.constant 0 : i32
          %dma_wait3A_293 = arith.constant 0 : i32
          %dma_wait3A_294 = tpu.memref_slice %arg6[%dma_wait3A_292, %dma_wait3A_293] : memref<10240x64xf32, #tpu.memory_space<vmem_shared>> -> memref<10240x64xf32, #tpu.memory_space<vmem_shared>>
          tpu.wait_indirect_dma semaphore(%arg17 : memref<!tpu.dma_semaphore, #tpu.memory_space<semaphore_mem>>) src(%dma_wait3A_290 : memref<128x64xf32, #tpu.memory_space<vmem>>) dst(%dma_wait3A_294 : memref<10240x64xf32, #tpu.memory_space<vmem_shared>>)
        } else {
        }
        %add3A_270 = arith.constant 1 : i32
        %add3A_271 = arith.addi %add3A_205, %add3A_270 : i32
        %mul3A_272 = arith.constant 128 : i32
        %mul3A_273 = arith.muli %add3A_271, %mul3A_272 : i32
        %dma_start3A_274 = arith.constant 2 : i32
        %dma_start3A_275 = arith.constant 0 : i32
        %dma_start3A_276 = arith.constant 0 : i32
        %dma_start3A_277 = tpu.memref_slice %arg10[%dma_start3A_274, %dma_start3A_275, %dma_start3A_276] : memref<3x128x64xf32, #tpu.memory_space<vmem>> -> memref<1x128x64xf32, #tpu.memory_space<vmem>>
        %dma_start3A_278 = tpu.memref_squeeze %dma_start3A_277 : memref<1x128x64xf32, #tpu.memory_space<vmem>> -> memref<128x64xf32, #tpu.memory_space<vmem>>
        %dma_start3A_279 = tpu.memref_slice %arg8[%mul3A_273] : memref<10000xi32, #tpu.memory_space<vmem>> -> memref<128xi32, #tpu.memory_space<vmem>>
        %dma_start3A_280 = arith.constant 0 : i32
        %dma_start3A_281 = arith.constant 0 : i32
        %dma_start3A_282 = tpu.memref_slice %arg7[%dma_start3A_280, %dma_start3A_281] : memref<10240x64xf32, #tpu.memory_space<vmem_shared>> -> memref<10240x64xf32, #tpu.memory_space<vmem_shared>>
        tpu.enqueue_indirect_dma source(%dma_start3A_282 : memref<10240x64xf32, #tpu.memory_space<vmem_shared>>) target(%dma_start3A_278 : memref<128x64xf32, #tpu.memory_space<vmem>>) offsets(%dma_start3A_279 : memref<128xi32, #tpu.memory_space<vmem>>) semaphore(%arg14 : memref<!tpu.dma_semaphore, #tpu.memory_space<semaphore_mem>>)
      } else {
      }
      %mul3A_213 = arith.constant 128 : i32
      %mul3A_214 = arith.muli %add3A_205, %mul3A_213 : i32
      %dma_wait3A_215 = arith.constant 1 : i32
      %dma_wait3A_216 = arith.constant 0 : i32
      %dma_wait3A_217 = arith.constant 0 : i32
      %dma_wait3A_218 = tpu.memref_slice %arg10[%dma_wait3A_215, %dma_wait3A_216, %dma_wait3A_217] : memref<3x128x64xf32, #tpu.memory_space<vmem>> -> memref<1x128x64xf32, #tpu.memory_space<vmem>>
      %dma_wait3A_219 = tpu.memref_squeeze %dma_wait3A_218 : memref<1x128x64xf32, #tpu.memory_space<vmem>> -> memref<128x64xf32, #tpu.memory_space<vmem>>
      %dma_wait3A_220 = tpu.memref_slice %arg8[%mul3A_214] : memref<10000xi32, #tpu.memory_space<vmem>> -> memref<128xi32, #tpu.memory_space<vmem>>
      %dma_wait3A_221 = arith.constant 0 : i32
      %dma_wait3A_222 = arith.constant 0 : i32
      %dma_wait3A_223 = tpu.memref_slice %arg7[%dma_wait3A_221, %dma_wait3A_222] : memref<10240x64xf32, #tpu.memory_space<vmem_shared>> -> memref<10240x64xf32, #tpu.memory_space<vmem_shared>>
      tpu.wait_indirect_dma semaphore(%arg13 : memref<!tpu.dma_semaphore, #tpu.memory_space<semaphore_mem>>) src(%dma_wait3A_223 : memref<10240x64xf32, #tpu.memory_space<vmem_shared>>) dst(%dma_wait3A_219 : memref<128x64xf32, #tpu.memory_space<vmem>>)
      %mul3A_224 = arith.constant 128 : i32
      %mul3A_225 = arith.muli %add3A_205, %mul3A_224 : i32
      %dma_start3A_226 = arith.constant 1 : i32
      %dma_start3A_227 = arith.constant 0 : i32
      %dma_start3A_228 = arith.constant 0 : i32
      %dma_start3A_229 = tpu.memref_slice %arg10[%dma_start3A_226, %dma_start3A_227, %dma_start3A_228] : memref<3x128x64xf32, #tpu.memory_space<vmem>> -> memref<1x128x64xf32, #tpu.memory_space<vmem>>
      %dma_start3A_230 = tpu.memref_squeeze %dma_start3A_229 : memref<1x128x64xf32, #tpu.memory_space<vmem>> -> memref<128x64xf32, #tpu.memory_space<vmem>>
      %dma_start3A_231 = tpu.memref_slice %arg9[%mul3A_225] : memref<10000xi32, #tpu.memory_space<vmem>> -> memref<128xi32, #tpu.memory_space<vmem>>
      %dma_start3A_232 = arith.constant 0 : i32
      %dma_start3A_233 = arith.constant 0 : i32
      %dma_start3A_234 = tpu.memref_slice %arg6[%dma_start3A_232, %dma_start3A_233] : memref<10240x64xf32, #tpu.memory_space<vmem_shared>> -> memref<10240x64xf32, #tpu.memory_space<vmem_shared>>
      tpu.enqueue_indirect_dma source(%dma_start3A_230 : memref<128x64xf32, #tpu.memory_space<vmem>>) target(%dma_start3A_234 : memref<10240x64xf32, #tpu.memory_space<vmem_shared>>) offsets(%dma_start3A_231 : memref<128xi32, #tpu.memory_space<vmem>>) semaphore(%arg16 : memref<!tpu.dma_semaphore, #tpu.memory_space<semaphore_mem>>) {add = true}
      %add3A_235 = arith.constant 2 : i32
      %add3A_236 = arith.addi %mul3A_175, %add3A_235 : i32
      %add3A_237 = arith.constant 1 : i32
      %add3A_238 = arith.addi %add3A_236, %add3A_237 : i32
      %lt3A_239 = arith.constant 78 : i32
      %lt3A_240 = arith.cmpi slt, %add3A_238, %lt3A_239 : i32
      %convert_element_type3A_241 = arith.extui %lt3A_240 : i1 to i32
      %cond3A_242 = arith.constant 0 : i32
      %cond3A_243 = arith.cmpi ne, %convert_element_type3A_241, %cond3A_242 : i32
      scf.if %cond3A_243 {
        %ge3A = arith.constant 2 : i32
        %ge3A_266 = arith.cmpi sge, %add3A_236, %ge3A : i32
        %convert_element_type3A_267 = arith.extui %ge3A_266 : i1 to i32
        %cond3A_268 = arith.constant 0 : i32
        %cond3A_269 = arith.cmpi ne, %convert_element_type3A_267, %cond3A_268 : i32
        scf.if %cond3A_269 {
          %sub3A = arith.constant 2 : i32
          %sub3A_283 = arith.subi %add3A_236, %sub3A : i32
          %mul3A_284 = arith.constant 128 : i32
          %mul3A_285 = arith.muli %sub3A_283, %mul3A_284 : i32
          %dma_wait3A_286 = arith.constant 0 : i32
          %dma_wait3A_287 = arith.constant 0 : i32
          %dma_wait3A_288 = arith.constant 0 : i32
          %dma_wait3A_289 = tpu.memref_slice %arg10[%dma_wait3A_286, %dma_wait3A_287, %dma_wait3A_288] : memref<3x128x64xf32, #tpu.memory_space<vmem>> -> memref<1x128x64xf32, #tpu.memory_space<vmem>>
          %dma_wait3A_290 = tpu.memref_squeeze %dma_wait3A_289 : memref<1x128x64xf32, #tpu.memory_space<vmem>> -> memref<128x64xf32, #tpu.memory_space<vmem>>
          %dma_wait3A_291 = tpu.memref_slice %arg9[%mul3A_285] : memref<10000xi32, #tpu.memory_space<vmem>> -> memref<128xi32, #tpu.memory_space<vmem>>
          %dma_wait3A_292 = arith.constant 0 : i32
          %dma_wait3A_293 = arith.constant 0 : i32
          %dma_wait3A_294 = tpu.memref_slice %arg6[%dma_wait3A_292, %dma_wait3A_293] : memref<10240x64xf32, #tpu.memory_space<vmem_shared>> -> memref<10240x64xf32, #tpu.memory_space<vmem_shared>>
          tpu.wait_indirect_dma semaphore(%arg15 : memref<!tpu.dma_semaphore, #tpu.memory_space<semaphore_mem>>) src(%dma_wait3A_290 : memref<128x64xf32, #tpu.memory_space<vmem>>) dst(%dma_wait3A_294 : memref<10240x64xf32, #tpu.memory_space<vmem_shared>>)
        } else {
        }
        %add3A_270 = arith.constant 1 : i32
        %add3A_271 = arith.addi %add3A_236, %add3A_270 : i32
        %mul3A_272 = arith.constant 128 : i32
        %mul3A_273 = arith.muli %add3A_271, %mul3A_272 : i32
        %dma_start3A_274 = arith.constant 0 : i32
        %dma_start3A_275 = arith.constant 0 : i32
        %dma_start3A_276 = arith.constant 0 : i32
        %dma_start3A_277 = tpu.memref_slice %arg10[%dma_start3A_274, %dma_start3A_275, %dma_start3A_276] : memref<3x128x64xf32, #tpu.memory_space<vmem>> -> memref<1x128x64xf32, #tpu.memory_space<vmem>>
        %dma_start3A_278 = tpu.memref_squeeze %dma_start3A_277 : memref<1x128x64xf32, #tpu.memory_space<vmem>> -> memref<128x64xf32, #tpu.memory_space<vmem>>
        %dma_start3A_279 = tpu.memref_slice %arg8[%mul3A_273] : memref<10000xi32, #tpu.memory_space<vmem>> -> memref<128xi32, #tpu.memory_space<vmem>>
        %dma_start3A_280 = arith.constant 0 : i32
        %dma_start3A_281 = arith.constant 0 : i32
        %dma_start3A_282 = tpu.memref_slice %arg7[%dma_start3A_280, %dma_start3A_281] : memref<10240x64xf32, #tpu.memory_space<vmem_shared>> -> memref<10240x64xf32, #tpu.memory_space<vmem_shared>>
        tpu.enqueue_indirect_dma source(%dma_start3A_282 : memref<10240x64xf32, #tpu.memory_space<vmem_shared>>) target(%dma_start3A_278 : memref<128x64xf32, #tpu.memory_space<vmem>>) offsets(%dma_start3A_279 : memref<128xi32, #tpu.memory_space<vmem>>) semaphore(%arg12 : memref<!tpu.dma_semaphore, #tpu.memory_space<semaphore_mem>>)
      } else {
      }
      %mul3A_244 = arith.constant 128 : i32
      %mul3A_245 = arith.muli %add3A_236, %mul3A_244 : i32
      %dma_wait3A_246 = arith.constant 2 : i32
      %dma_wait3A_247 = arith.constant 0 : i32
      %dma_wait3A_248 = arith.constant 0 : i32
      %dma_wait3A_249 = tpu.memref_slice %arg10[%dma_wait3A_246, %dma_wait3A_247, %dma_wait3A_248] : memref<3x128x64xf32, #tpu.memory_space<vmem>> -> memref<1x128x64xf32, #tpu.memory_space<vmem>>
      %dma_wait3A_250 = tpu.memref_squeeze %dma_wait3A_249 : memref<1x128x64xf32, #tpu.memory_space<vmem>> -> memref<128x64xf32, #tpu.memory_space<vmem>>
      %dma_wait3A_251 = tpu.memref_slice %arg8[%mul3A_245] : memref<10000xi32, #tpu.memory_space<vmem>> -> memref<128xi32, #tpu.memory_space<vmem>>
      %dma_wait3A_252 = arith.constant 0 : i32
      %dma_wait3A_253 = arith.constant 0 : i32
      %dma_wait3A_254 = tpu.memref_slice %arg7[%dma_wait3A_252, %dma_wait3A_253] : memref<10240x64xf32, #tpu.memory_space<vmem_shared>> -> memref<10240x64xf32, #tpu.memory_space<vmem_shared>>
      tpu.wait_indirect_dma semaphore(%arg14 : memref<!tpu.dma_semaphore, #tpu.memory_space<semaphore_mem>>) src(%dma_wait3A_254 : memref<10240x64xf32, #tpu.memory_space<vmem_shared>>) dst(%dma_wait3A_250 : memref<128x64xf32, #tpu.memory_space<vmem>>)
      %mul3A_255 = arith.constant 128 : i32
      %mul3A_256 = arith.muli %add3A_236, %mul3A_255 : i32
      %dma_start3A_257 = arith.constant 2 : i32
      %dma_start3A_258 = arith.constant 0 : i32
      %dma_start3A_259 = arith.constant 0 : i32
      %dma_start3A_260 = tpu.memref_slice %arg10[%dma_start3A_257, %dma_start3A_258, %dma_start3A_259] : memref<3x128x64xf32, #tpu.memory_space<vmem>> -> memref<1x128x64xf32, #tpu.memory_space<vmem>>
      %dma_start3A_261 = tpu.memref_squeeze %dma_start3A_260 : memref<1x128x64xf32, #tpu.memory_space<vmem>> -> memref<128x64xf32, #tpu.memory_space<vmem>>
      %dma_start3A_262 = tpu.memref_slice %arg9[%mul3A_256] : memref<10000xi32, #tpu.memory_space<vmem>> -> memref<128xi32, #tpu.memory_space<vmem>>
      %dma_start3A_263 = arith.constant 0 : i32
      %dma_start3A_264 = arith.constant 0 : i32
      %dma_start3A_265 = tpu.memref_slice %arg6[%dma_start3A_263, %dma_start3A_264] : memref<10240x64xf32, #tpu.memory_space<vmem_shared>> -> memref<10240x64xf32, #tpu.memory_space<vmem_shared>>
      tpu.enqueue_indirect_dma source(%dma_start3A_261 : memref<128x64xf32, #tpu.memory_space<vmem>>) target(%dma_start3A_265 : memref<10240x64xf32, #tpu.memory_space<vmem_shared>>) offsets(%dma_start3A_262 : memref<128xi32, #tpu.memory_space<vmem>>) semaphore(%arg17 : memref<!tpu.dma_semaphore, #tpu.memory_space<semaphore_mem>>) {add = true}
    }
    %scan3A_115 = arith.constant 26 : i32
    %dma_wait3A_116 = arith.constant 0 : i32
    %dma_wait3A_117 = arith.constant 0 : i32
    %dma_wait3A_118 = arith.constant 0 : i32
    %dma_wait3A_119 = tpu.memref_slice %arg10[%dma_wait3A_116, %dma_wait3A_117, %dma_wait3A_118] : memref<3x128x64xf32, #tpu.memory_space<vmem>> -> memref<1x128x64xf32, #tpu.memory_space<vmem>>
    %dma_wait3A_120 = tpu.memref_squeeze %dma_wait3A_119 : memref<1x128x64xf32, #tpu.memory_space<vmem>> -> memref<128x64xf32, #tpu.memory_space<vmem>>
    %dma_wait3A_121 = arith.constant 9600 : i32
    %dma_wait3A_122 = tpu.memref_slice %arg9[%dma_wait3A_121] : memref<10000xi32, #tpu.memory_space<vmem>> -> memref<128xi32, #tpu.memory_space<vmem>>
    %dma_wait3A_123 = arith.constant 0 : i32
    %dma_wait3A_124 = arith.constant 0 : i32
    %dma_wait3A_125 = tpu.memref_slice %arg6[%dma_wait3A_123, %dma_wait3A_124] : memref<10240x64xf32, #tpu.memory_space<vmem_shared>> -> memref<10240x64xf32, #tpu.memory_space<vmem_shared>>
    tpu.wait_indirect_dma semaphore(%arg15 : memref<!tpu.dma_semaphore, #tpu.memory_space<semaphore_mem>>) src(%dma_wait3A_120 : memref<128x64xf32, #tpu.memory_space<vmem>>) dst(%dma_wait3A_125 : memref<10240x64xf32, #tpu.memory_space<vmem_shared>>)
    %dma_wait3A_126 = arith.constant 1 : i32
    %dma_wait3A_127 = arith.constant 0 : i32
    %dma_wait3A_128 = arith.constant 0 : i32
    %dma_wait3A_129 = tpu.memref_slice %arg10[%dma_wait3A_126, %dma_wait3A_127, %dma_wait3A_128] : memref<3x128x64xf32, #tpu.memory_space<vmem>> -> memref<1x128x64xf32, #tpu.memory_space<vmem>>
    %dma_wait3A_130 = tpu.memref_squeeze %dma_wait3A_129 : memref<1x128x64xf32, #tpu.memory_space<vmem>> -> memref<128x64xf32, #tpu.memory_space<vmem>>
    %dma_wait3A_131 = arith.constant 9728 : i32
    %dma_wait3A_132 = tpu.memref_slice %arg9[%dma_wait3A_131] : memref<10000xi32, #tpu.memory_space<vmem>> -> memref<128xi32, #tpu.memory_space<vmem>>
    %dma_wait3A_133 = arith.constant 0 : i32
    %dma_wait3A_134 = arith.constant 0 : i32
    %dma_wait3A_135 = tpu.memref_slice %arg6[%dma_wait3A_133, %dma_wait3A_134] : memref<10240x64xf32, #tpu.memory_space<vmem_shared>> -> memref<10240x64xf32, #tpu.memory_space<vmem_shared>>
    tpu.wait_indirect_dma semaphore(%arg16 : memref<!tpu.dma_semaphore, #tpu.memory_space<semaphore_mem>>) src(%dma_wait3A_130 : memref<128x64xf32, #tpu.memory_space<vmem>>) dst(%dma_wait3A_135 : memref<10240x64xf32, #tpu.memory_space<vmem_shared>>)
    %dma_wait3A_136 = arith.constant 2 : i32
    %dma_wait3A_137 = arith.constant 0 : i32
    %dma_wait3A_138 = arith.constant 0 : i32
    %dma_wait3A_139 = tpu.memref_slice %arg10[%dma_wait3A_136, %dma_wait3A_137, %dma_wait3A_138] : memref<3x128x64xf32, #tpu.memory_space<vmem>> -> memref<1x128x64xf32, #tpu.memory_space<vmem>>
    %dma_wait3A_140 = tpu.memref_squeeze %dma_wait3A_139 : memref<1x128x64xf32, #tpu.memory_space<vmem>> -> memref<128x64xf32, #tpu.memory_space<vmem>>
    %dma_wait3A_141 = arith.constant 9856 : i32
    %dma_wait3A_142 = tpu.memref_slice %arg9[%dma_wait3A_141] : memref<10000xi32, #tpu.memory_space<vmem>> -> memref<128xi32, #tpu.memory_space<vmem>>
    %dma_wait3A_143 = arith.constant 0 : i32
    %dma_wait3A_144 = arith.constant 0 : i32
    %dma_wait3A_145 = tpu.memref_slice %arg6[%dma_wait3A_143, %dma_wait3A_144] : memref<10240x64xf32, #tpu.memory_space<vmem_shared>> -> memref<10240x64xf32, #tpu.memory_space<vmem_shared>>
    tpu.wait_indirect_dma semaphore(%arg17 : memref<!tpu.dma_semaphore, #tpu.memory_space<semaphore_mem>>) src(%dma_wait3A_140 : memref<128x64xf32, #tpu.memory_space<vmem>>) dst(%dma_wait3A_145 : memref<10240x64xf32, #tpu.memory_space<vmem_shared>>)
    %dma_start3A_146 = arith.constant 0 : i32
    %dma_start3A_147 = arith.constant 0 : i32
    %dma_start3A_148 = arith.constant 0 : i32
    %dma_start3A_149 = tpu.memref_slice %arg10[%dma_start3A_146, %dma_start3A_147, %dma_start3A_148] : memref<3x128x64xf32, #tpu.memory_space<vmem>> -> memref<1x16x64xf32, #tpu.memory_space<vmem>>
    %dma_start3A_150 = tpu.memref_squeeze %dma_start3A_149 : memref<1x16x64xf32, #tpu.memory_space<vmem>> -> memref<16x64xf32, #tpu.memory_space<vmem>>
    %dma_start3A_151 = arith.constant 9984 : i32
    %dma_start3A_152 = tpu.memref_slice %arg8[%dma_start3A_151] : memref<10000xi32, #tpu.memory_space<vmem>> -> memref<16xi32, #tpu.memory_space<vmem>>
    %dma_start3A_153 = arith.constant 0 : i32
    %dma_start3A_154 = arith.constant 0 : i32
    %dma_start3A_155 = tpu.memref_slice %arg7[%dma_start3A_153, %dma_start3A_154] : memref<10240x64xf32, #tpu.memory_space<vmem_shared>> -> memref<10240x64xf32, #tpu.memory_space<vmem_shared>>
    tpu.enqueue_indirect_dma source(%dma_start3A_155 : memref<10240x64xf32, #tpu.memory_space<vmem_shared>>) target(%dma_start3A_150 : memref<16x64xf32, #tpu.memory_space<vmem>>) offsets(%dma_start3A_152 : memref<16xi32, #tpu.memory_space<vmem>>) semaphore(%arg12 : memref<!tpu.dma_semaphore, #tpu.memory_space<semaphore_mem>>)
    %dma_wait3A_156 = arith.constant 0 : i32
    %dma_wait3A_157 = arith.constant 0 : i32
    %dma_wait3A_158 = arith.constant 0 : i32
    %dma_wait3A_159 = tpu.memref_slice %arg10[%dma_wait3A_156, %dma_wait3A_157, %dma_wait3A_158] : memref<3x128x64xf32, #tpu.memory_space<vmem>> -> memref<1x16x64xf32, #tpu.memory_space<vmem>>
    %dma_wait3A_160 = tpu.memref_squeeze %dma_wait3A_159 : memref<1x16x64xf32, #tpu.memory_space<vmem>> -> memref<16x64xf32, #tpu.memory_space<vmem>>
    %dma_wait3A_161 = arith.constant 9984 : i32
    %dma_wait3A_162 = tpu.memref_slice %arg8[%dma_wait3A_161] : memref<10000xi32, #tpu.memory_space<vmem>> -> memref<16xi32, #tpu.memory_space<vmem>>
    %dma_wait3A_163 = arith.constant 0 : i32
    %dma_wait3A_164 = arith.constant 0 : i32
    %dma_wait3A_165 = tpu.memref_slice %arg7[%dma_wait3A_163, %dma_wait3A_164] : memref<10240x64xf32, #tpu.memory_space<vmem_shared>> -> memref<10240x64xf32, #tpu.memory_space<vmem_shared>>
    tpu.wait_indirect_dma semaphore(%arg12 : memref<!tpu.dma_semaphore, #tpu.memory_space<semaphore_mem>>) src(%dma_wait3A_165 : memref<10240x64xf32, #tpu.memory_space<vmem_shared>>) dst(%dma_wait3A_160 : memref<16x64xf32, #tpu.memory_space<vmem>>)
    %run_scoped3A = arith.constant 0 : i32
    "tpu.region"() ({
      %run_scoped3A_173 = tpu.sem_alloc : memref<!tpu.dma_semaphore, #tpu.memory_space<semaphore_mem>>
      %dma_start3A_174 = arith.constant 0 : i32
      %dma_start3A_175 = arith.constant 0 : i32
      %dma_start3A_176 = tpu.memref_slice %arg10[%run_scoped3A, %dma_start3A_174, %dma_start3A_175] : memref<3x128x64xf32, #tpu.memory_space<vmem>> -> memref<1x16x64xf32, #tpu.memory_space<vmem>>
      %dma_start3A_177 = tpu.memref_squeeze %dma_start3A_176 : memref<1x16x64xf32, #tpu.memory_space<vmem>> -> memref<16x64xf32, #tpu.memory_space<vmem>>
      %dma_start3A_178 = arith.constant 9984 : i32
      %dma_start3A_179 = tpu.memref_slice %arg9[%dma_start3A_178] : memref<10000xi32, #tpu.memory_space<vmem>> -> memref<16xi32, #tpu.memory_space<vmem>>
      %dma_start3A_180 = arith.constant 0 : i32
      %dma_start3A_181 = arith.constant 0 : i32
      %dma_start3A_182 = tpu.memref_slice %arg6[%dma_start3A_180, %dma_start3A_181] : memref<10240x64xf32, #tpu.memory_space<vmem_shared>> -> memref<10240x64xf32, #tpu.memory_space<vmem_shared>>
      tpu.enqueue_indirect_dma source(%dma_start3A_177 : memref<16x64xf32, #tpu.memory_space<vmem>>) target(%dma_start3A_182 : memref<10240x64xf32, #tpu.memory_space<vmem_shared>>) offsets(%dma_start3A_179 : memref<16xi32, #tpu.memory_space<vmem>>) semaphore(%run_scoped3A_173 : memref<!tpu.dma_semaphore, #tpu.memory_space<semaphore_mem>>) {add = true}
      %dma_wait3A_183 = arith.constant 0 : i32
      %dma_wait3A_184 = arith.constant 0 : i32
      %dma_wait3A_185 = tpu.memref_slice %arg10[%run_scoped3A, %dma_wait3A_183, %dma_wait3A_184] : memref<3x128x64xf32, #tpu.memory_space<vmem>> -> memref<1x16x64xf32, #tpu.memory_space<vmem>>
      %dma_wait3A_186 = tpu.memref_squeeze %dma_wait3A_185 : memref<1x16x64xf32, #tpu.memory_space<vmem>> -> memref<16x64xf32, #tpu.memory_space<vmem>>
      %dma_wait3A_187 = arith.constant 9984 : i32
      %dma_wait3A_188 = tpu.memref_slice %arg9[%dma_wait3A_187] : memref<10000xi32, #tpu.memory_space<vmem>> -> memref<16xi32, #tpu.memory_space<vmem>>
      %dma_wait3A_189 = arith.constant 0 : i32
      %dma_wait3A_190 = arith.constant 0 : i32
      %dma_wait3A_191 = tpu.memref_slice %arg6[%dma_wait3A_189, %dma_wait3A_190] : memref<10240x64xf32, #tpu.memory_space<vmem_shared>> -> memref<10240x64xf32, #tpu.memory_space<vmem_shared>>
      tpu.wait_indirect_dma semaphore(%run_scoped3A_173 : memref<!tpu.dma_semaphore, #tpu.memory_space<semaphore_mem>>) src(%dma_wait3A_186 : memref<16x64xf32, #tpu.memory_space<vmem>>) dst(%dma_wait3A_191 : memref<10240x64xf32, #tpu.memory_space<vmem_shared>>)
      tpu.yield
    }) : () -> ()
    %barrier3A_166 = arith.constant 0 : index
    tpu.barrier barrier_id(%barrier3A_166)
    %mul3A_167 = arith.constant 640 : i32
    %mul3A_168 = arith.muli %arg1, %mul3A_167 : i32
    %mul3A_169 = arith.constant 640 : i32
    %mul3A_170 = arith.muli %arg1, %mul3A_169 : i32
    %mul3A_171 = arith.constant 64 : i32
    %mul3A_172 = arith.muli %arg0, %mul3A_171 : i32
    "tpu.region"() ({
      %run_scoped3A_173 = tpu.sem_alloc : memref<!tpu.dma_semaphore, #tpu.memory_space<semaphore_mem>>
      %dma_start3A_174 = tpu.memref_slice %arg5[%mul3A_170, %mul3A_172] : memref<10240x128xf32, #tpu.memory_space<hbm>> -> memref<640x64xf32, #tpu.memory_space<hbm>>
      %dma_start3A_175 = arith.constant 0 : i32
      %dma_start3A_176 = tpu.memref_slice %arg6[%mul3A_168, %dma_start3A_175] : memref<10240x64xf32, #tpu.memory_space<vmem_shared>> -> memref<640x64xf32, #tpu.memory_space<vmem_shared>>
      tpu.enqueue_dma source(%dma_start3A_176 : memref<640x64xf32, #tpu.memory_space<vmem_shared>>) target(%dma_start3A_174 : memref<640x64xf32, #tpu.memory_space<hbm>>) target_semaphore(%run_scoped3A_173 : memref<!tpu.dma_semaphore, #tpu.memory_space<semaphore_mem>>)
      %dma_wait3A_177 = tpu.memref_slice %arg5[%mul3A_170, %mul3A_172] : memref<10240x128xf32, #tpu.memory_space<hbm>> -> memref<640x64xf32, #tpu.memory_space<hbm>>
      %dma_wait3A_178 = arith.constant 0 : i32
      %dma_wait3A_179 = tpu.memref_slice %arg6[%mul3A_168, %dma_wait3A_178] : memref<10240x64xf32, #tpu.memory_space<vmem_shared>> -> memref<640x64xf32, #tpu.memory_space<vmem_shared>>
      tpu.wait_dma2 semaphore(%run_scoped3A_173 : memref<!tpu.dma_semaphore, #tpu.memory_space<semaphore_mem>>) src(%dma_wait3A_179 : memref<640x64xf32, #tpu.memory_space<vmem_shared>>) dst(%dma_wait3A_177 : memref<640x64xf32, #tpu.memory_space<hbm>>)
      tpu.yield
    }) : () -> ()
    return
  }
}

module attributes {stable_mosaic.version = 14 : i64} {
  func.func @_proj_body(%arg0: memref<10000x128xf32, #tpu.memory_space<vmem>>, %arg1: memref<128x64xf32, #tpu.memory_space<vmem>>, %arg2: memref<10240x1xf32, #tpu.memory_space<vmem>>, %arg3: memref<10240x128xf32, #tpu.memory_space<vmem>>) attributes {dimension_semantics = [], scalar_prefetch = 0 : i64, scratch_operands = 0 : i64, tpu.core_type = #tpu.core_type<tc>} {
    %get3A = arith.constant 0 : index
    %get3A_0 = arith.constant 0 : index
    %get3A_1 = vector.load %arg0[%get3A, %get3A_0] : memref<10000x128xf32, #tpu.memory_space<vmem>>, vector<10000x128xf32>
    %get3A_2 = arith.constant 0 : index
    %get3A_3 = arith.constant 0 : index
    %get3A_4 = vector.load %arg1[%get3A_2, %get3A_3] : memref<128x64xf32, #tpu.memory_space<vmem>>, vector<128x64xf32>
    %dot_general3A = arith.constant dense<0.000000e+00> : vector<10000x64xf32>
    %dot_general3A_5 = tpu.matmul %get3A_1, %get3A_4, %dot_general3A {dimension_numbers = #tpu.dot_dimension_numbers<[1], [0], [0], [1], [0, 0, 1, 1], [], []>, transpose_lhs_hint = false} : vector<10000x128xf32>, vector<128x64xf32>, vector<10000x64xf32> -> vector<10000x64xf32>
    %get3A_6 = arith.constant 0 : index
    %get3A_7 = arith.constant 0 : index
    %get3A_8 = vector.load %arg2[%get3A_6, %get3A_7] : memref<10240x1xf32, #tpu.memory_space<vmem>>, vector<10000x1xf32>
    %mul3A = vector.broadcast %get3A_8 : vector<10000x1xf32> to vector<10000x64xf32>
    %mul3A_9 = arith.mulf %dot_general3A_5, %mul3A : vector<10000x64xf32>
    %swap3A = arith.constant 0 : index
    %swap3A_10 = arith.constant 0 : index
    %swap3A_11 = vector.load %arg3[%swap3A, %swap3A_10] : memref<10240x128xf32, #tpu.memory_space<vmem>>, vector<10000x64xf32>
    tpu.vector_store %arg3[%swap3A, %swap3A_10], %mul3A_9 {strides = array<i32>} : memref<10240x128xf32, #tpu.memory_space<vmem>>, vector<10000x64xf32>,
    return
  }
}

module attributes {stable_mosaic.version = 14 : i64} {
  func.func @_out_body(%arg0: memref<10240x128xf32, #tpu.memory_space<vmem>>, %arg1: memref<10000x1xf32, #tpu.memory_space<vmem>>, %arg2: memref<1x64xf32, #tpu.memory_space<vmem>>, %arg3: memref<10000x64xf32, #tpu.memory_space<vmem>>) attributes {dimension_semantics = [], scalar_prefetch = 0 : i64, scratch_operands = 0 : i64, tpu.core_type = #tpu.core_type<tc>} {
    %get3A = arith.constant 0 : index
    %get3A_0 = arith.constant 0 : index
    %get3A_1 = vector.load %arg0[%get3A, %get3A_0] : memref<10240x128xf32, #tpu.memory_space<vmem>>, vector<10000x64xf32>
    %get3A_2 = arith.constant 0 : index
    %get3A_3 = arith.constant 64 : index
    %get3A_4 = vector.load %arg0[%get3A_2, %get3A_3] : memref<10240x128xf32, #tpu.memory_space<vmem>>, vector<10000x64xf32>
    %add3A = arith.addf %get3A_1, %get3A_4 : vector<10000x64xf32>
    %get3A_5 = arith.constant 0 : index
    %get3A_6 = arith.constant 0 : index
    %get3A_7 = vector.load %arg1[%get3A_5, %get3A_6] : memref<10000x1xf32, #tpu.memory_space<vmem>>, vector<10000x1xf32>
    %mul3A = vector.broadcast %get3A_7 : vector<10000x1xf32> to vector<10000x64xf32>
    %mul3A_8 = arith.mulf %add3A, %mul3A : vector<10000x64xf32>
    %get3A_9 = arith.constant 0 : index
    %get3A_10 = arith.constant 0 : index
    %get3A_11 = vector.load %arg2[%get3A_9, %get3A_10] : memref<1x64xf32, #tpu.memory_space<vmem>>, vector<1x64xf32>
    %add3A_12 = vector.broadcast %get3A_11 : vector<1x64xf32> to vector<10000x64xf32>
    %add3A_13 = arith.addf %mul3A_8, %add3A_12 : vector<10000x64xf32>
    %swap3A = arith.constant 0 : index
    %swap3A_14 = arith.constant 0 : index
    %swap3A_15 = vector.load %arg3[%swap3A, %swap3A_14] : memref<10000x64xf32, #tpu.memory_space<vmem>>, vector<10000x64xf32>
    tpu.vector_store %arg3[%swap3A, %swap3A_14], %add3A_13 {strides = array<i32>} : memref<10000x64xf32, #tpu.memory_space<vmem>>, vector<10000x64xf32>,
    return
  }
}

</mosaic_0001>

<sc_bundles>
// kernel: kernel.6.cloned.1.call-start
scs
__scs_entry_jumppad:
0x0: {  	(pc) =	sbr.rel $0x88, $3  }
0x1: {  	(tag) =	ssettag $0x0;
	lr =	simm.s32 $0x1  }
0x2: {  	[smem:$0x3F9D] =	sst lr;
	_ =	strace $0xD0000000  }
0x3: {  	_ = 	snop  }
0x4: {  	_ = 	snop  }
0x5: {  	_ = 	snop  }
0x6: {  	_ = 	snop  }
0x7: {  	_ = 	snop  }
__scs_overlays_trampoline_lowered:
0x8: {  	[smem:$0x3FAC] =	sst s0  }
0x9: {  	[smem:$0x3FAD] =	sst s1  }
0xa: {  	[smem:$0x3FAE] =	sst s2  }
0xb: {  	[smem:$0x3FAF] =	sst s3  }
0xc: {  	[smem:$0x3FB0] =	sst s4  }
0xd: {  	[smem:$0x3FB1] =	sst s5  }
0xe: {  	[smem:$0x3FB2] =	sst s6  }
0xf: {  	[smem:$0x3FB3] =	sst s7  }
0x10: {  	[smem:$0x3FB4] =	sst s8  }
0x11: {  	[smem:$0x3FB5] =	sst s9;
	s0 =	simm.s32 @!p0 $0x0  }
0x12: {  	s1 =	sld [smem:$0x3F9B];
	s0 =	simm.s32 @p0 $0x1  }
0x13: {  	[smem:$0x3FB6] =	sst s0;
	s0 =	simm.s32 @!p1 $0x0  }
0x14: {  	s2 =	sld [smem:$0x3F9A];
	s0 =	simm.s32 @p1 $0x1  }
0x15: {  	[smem:$0x3FB7] =	sst s0;
	s0 =	simm.s32 @!p2 $0x0  }
0x16: {  	s3 =	sld [smem:$0x3FDB];
	s0 =	simm.s32 @p2 $0x1  }
0x17: {  	s4 =	simm.s32 $0x1BF5;
	[smem:$0x3FB9] =	sst s0  }
0x18: {  	s0 =	sld [smem:$0x3F9C];
	_ =	swait.ge [sflag:s4], $0x0  }
0x19: {  	s7 =	sld [smem:$0x3F9D]  }
0x1a: {  	s8 =	sadd.s32 $0xFFFFE003, lr  }
0x1b: {  	s9 =	sadd.s32 $0xFFFFFEF7, lr;
	s5 =	simm.s32 $0xFFFFFFFF;
	p2 =	slt.u32 s8, $0xFFFFF086  }
0x1c: {  	p1 =	slt.u32 s9, $0xF7A;
	s5 =	simm.s32 @!p2 $0x0  }
0x1d: {  	s5 =	simm.s32 @p1 $0x1;
	p0 =	seq.s32 s7, s2  }
0x1e: {  	s7 =	smul.u32 @!p0 $0xF7A, s2;
	p2 =	seq.s32 @!p0 s5, $0x0  }
0x1f: {  	s9 =	smul.u32 $0xF7A, s1;
	s8 =	simm.s32 @!p0 $0x1BF5;
	p2 =	por !p2, p0  }
0x20: {  	[sflag:s8] =	ssyncset.s32 @!p0 $0xFFFFF086;
	s6 =	sadd.s32 @!p0 s3, s7;
	s7 =	simm.s32 @!p0 $0x108  }
0x21: {  	s3 =	sadd.s32 s3, s9;
	s6 =	sadd.s32 @!p0 $0x88, s6;
	s7 =	simm.s32 @p2 $0x1082  }
0x22: {  	[simem:s7], [sflag:s8] =	dma.local @!p0 [hbm:s6], $0xF7A  }
0x23: {  	s9 =	sor.u32 $0xD0000000, s2;
	s6 =	simm.s32 $0x108;
	_ =	swait.ge @!p0 [sflag:s8], $0x0  }
0x24: {  	s3 =	sadd.s32 $0x88, s3;
	s6 =	simm.s32 @!p1 $0x1082;
	[sflag:s4] =	ssyncset.s32 $0xFFFFF086  }
0x25: {  	[simem:s6], [sflag:s4] =	dma.local [hbm:s3], $0xF7A  }
0x26: {  	[smem:$0x3F9D] =	sst s1;
	(tag) =	ssettag s2;
	_ =	strace s9  }
0x27: {  	s1 =	sld [smem:$0x3FAD]  }
0x28: {  	s2 =	sld [smem:$0x3FAE]  }
0x29: {  	s4 =	sld [smem:$0x3FB0]  }
0x2a: {  	p0 =	seq.s32 s5, $0x0;
	s5 =	sld [smem:$0x3FB1]  }
0x2b: {  	s6 =	sld [smem:$0x3FB2]  }
0x2c: {  	s7 =	sld [smem:$0x3FB3]  }
0x2d: {  	s3 =	simm.s32 $0x108;
	s8 =	sld [smem:$0x3FB4]  }
0x2e: {  	s3 =	simm.s32 @!p0 $0x1082;
	s9 =	sld [smem:$0x3FB5]  }
0x2f: {  	lr =	sadd.s32 s0, s3;
	s0 =	sld [smem:$0x3FAC]  }
0x30: {  	s3 =	sld [smem:$0x3FAF]  }
0x31: {  	[smem:$0x3FB8] =	sst s10  }
0x32: {  	s10 =	sld [smem:$0x3FB6];
	_ =	sdelay $0x3  }
0x33: {  	p0 =	seq.s32 s10, $0x1;
	s10 =	sld [smem:$0x3FB8];
	_ =	sdelay $0x3  }
0x34: {  	[smem:$0x3FB8] =	sst s10  }
0x35: {  	s10 =	sld [smem:$0x3FB7];
	_ =	sdelay $0x3  }
0x36: {  	p1 =	seq.s32 s10, $0x1;
	s10 =	sld [smem:$0x3FB8];
	_ =	sdelay $0x3  }
0x37: {  	[smem:$0x3FB8] =	sst s10  }
0x38: {  	s10 =	sld [smem:$0x3FB9]  }
0x39: {  	_ = 	snop;
	(pc) =	sbr.ind lr, $3  }
0x3a: {  	_ = 	snop  }
0x3b: {  	_ = 	snop  }
0x3c: {  	p2 =	seq.s32 s10, $0x1;
	s10 =	sld [smem:$0x3FB8]  }
0x3d: {  	_ =	shalt  }
0x3e: {  	_ =	shalt  }
0x3f: {  	_ =	shalt  }
0x40: {  	_ =	shalt  }
0x41: {  	_ =	shalt  }
0x42: {  	_ =	shalt  }
0x43: {  	_ =	shalt  }
0x44: {  	_ =	shalt  }
0x45: {  	_ =	shalt  }
0x46: {  	_ =	shalt  }
0x47: {  	_ =	shalt  }
0x48: {  	_ =	shalt  }
0x49: {  	_ =	shalt  }
0x4a: {  	_ =	shalt  }
0x4b: {  	_ =	shalt  }
0x4c: {  	_ =	shalt  }
0x4d: {  	_ =	shalt  }
0x4e: {  	_ =	shalt  }
0x4f: {  	_ =	shalt  }
0x50: {  	_ =	shalt  }
0x51: {  	_ =	shalt  }
0x52: {  	_ =	shalt  }
0x53: {  	_ =	shalt  }
0x54: {  	_ =	shalt  }
0x55: {  	_ =	shalt  }
0x56: {  	_ =	shalt  }
0x57: {  	_ =	shalt  }
0x58: {  	_ =	shalt  }
0x59: {  	_ =	shalt  }
0x5a: {  	_ =	shalt  }
0x5b: {  	_ =	shalt  }
0x5c: {  	_ =	shalt  }
0x5d: {  	_ =	shalt  }
0x5e: {  	_ =	shalt  }
0x5f: {  	_ =	shalt  }
0x60: {  	_ =	shalt  }
0x61: {  	_ =	shalt  }
0x62: {  	_ =	shalt  }
0x63: {  	_ =	shalt  }
0x64: {  	_ =	shalt  }
0x65: {  	_ =	shalt  }
0x66: {  	_ =	shalt  }
0x67: {  	_ =	shalt  }
0x68: {  	_ =	shalt  }
0x69: {  	_ =	shalt  }
0x6a: {  	_ =	shalt  }
0x6b: {  	_ =	shalt  }
0x6c: {  	_ =	shalt  }
0x6d: {  	_ =	shalt  }
0x6e: {  	_ =	shalt  }
0x6f: {  	_ =	shalt  }
0x70: {  	_ =	shalt  }
0x71: {  	_ =	shalt  }
0x72: {  	_ =	shalt  }
0x73: {  	_ =	shalt  }
0x74: {  	_ =	shalt  }
0x75: {  	_ =	shalt  }
0x76: {  	_ =	shalt  }
0x77: {  	_ =	shalt  }
0x78: {  	_ =	shalt  }
0x79: {  	_ =	shalt  }
0x7a: {  	_ =	shalt  }
0x7b: {  	_ =	shalt  }
0x7c: {  	_ =	shalt  }
0x7d: {  	_ =	shalt  }
0x7e: {  	_ =	shalt  }
0x7f: {  	_ =	shalt  }
0x80: {  	_ =	shalt  }
0x81: {  	_ =	shalt  }
0x82: {  	_ =	shalt  }
0x83: {  	_ =	shalt  }
0x84: {  	_ =	shalt  }
0x85: {  	_ =	shalt  }
0x86: {  	_ =	shalt  }
0x87: {  	_ =	shalt  }
.Lfunc_end0:
.L_simem_size_0:
called_computation_lowered:
.L_overlay_start_0:
0x88: {  	s2 =	sld [smem:$0x3FD9]  }
0x89: {  	s3 =	sld [smem:$0x3FFE];
	_ =	sdelay $0x1  }
0x8a: {  	s1 =	srdreg.scid  }
0x8b: {  	s0 =	sand.u32 $0x1, s1  }
0x8c: {  	s17 =	sshll.u32 s0, $0xA;
	s2 =	sadd.s32 s3, s2  }
0x8d: {  	s2 =	sadd.s32 s2, s17  }
0x8e: {  	[smem:$0x3FC4] =	sst s2  }
0x8f: {  	_ = 	snop  }
0x90: {  	s2 =	sld [smem:$0x3FD0];
	(tm) =	ssettm $0x1  }
0x91: {  	s18 =	sld [smem:$0x3FFB];
	_ =	sdelay $0x3  }
0x92: {  	_ =	strace s18  }
0x93: {  	s3 =	sld [smem:$0x3FFC];
	_ =	sdelay $0x3  }
0x94: {  	_ =	strace s3  }
0x95: {  	s3 =	sld [smem:$0x3FFD];
	_ =	sdelay $0x3  }
0x96: {  	_ =	strace s3  }
0x97: {  	_ =	strace $0x8FFFFFFF  }
0x98: {  	s19 =	sld [smem:$0x3FDB];
	_ =	sdelay $0x1  }
0x99: {  	s4 =	simm.s32 $_scs_section_size  }
0x9a: {  	s5 =	simm.s32 $_size__tile_overlayer_lowered;
	s6 =	simm.s32 $_tile_overlayer_lowered  }
0x9b: {  	s22 =	simm.s32 $0x1BFF;
	s21 =	sshll.u32 s6, $0x1;
	s3 =	sadd.s32 s4, s19  }
0x9c: {  	s7 =	simm.s32 $0x0;
	s20 =	sshll.u32 s5, $0x1;
	s5 =	sadd.s32 s21, s3  }
0x9d: {  	[timem:s7], [sflag:s22] =	dma.local [hbm:s5], s20  }
0x9e: {  	_ =	swait.ge [sflag:s22], s20  }
0x9f: {  	s4 =	ssub.s32 $0x0, s20;
	[sflag:s22] =	ssyncset.done $0x0  }
0xa0: {  	[sflag:s22] =	ssyncadd.s32 s4;
	_ =	sdelay $0x1  }
0xa1: {  	s23 =	simm.s32 $0x1B8B  }
0xa2: {  	_ =	swait.ge [sflag:s23], $0x1  }
0xa3: {  	[sflag:s23] =	ssyncset.done $0x0  }
0xa4: {  	s25 =	simm.s32 $0x1B8E;
	s24 =	sld [smem:$0x3FFE];
	[sflag:s23] =	ssyncadd.s32 $0xFFFFFFFF  }
0xa5: {  	s26 =	simm.s32 $execute0_lowered;
	[smem:$0x3FD2] =	sst s25  }
0xa6: {  	s5 =	sshll.u32 s26, $0x1;
	_ =	strace $0x80000046;
	[dreg:$0x1] =	wrdreg $0xFFFFFFFF  }
0xa7: {  	s28 =	simm.s32 $_size_execute0_lowered;
	s3 =	sadd.s32 s3, s5;
	[dreg:$0x0] =	wrdreg $0x0  }
0xa8: {  	s5 =	sshll.u32 s28, $0x1;
	[dreg:$0x2] =	wrdreg s3  }
0xa9: {  	[dreg:$0x3] =	wrdreg s5  }
0xaa: {  	[dreg:$0x4] =	wrdreg $0xC0  }
0xab: {  	_ =	task [dreg:s7], $0x5FFFF  }
0xac: {  	[dreg:$0x1] =	wrdreg $0xFFFFFFFF  }
0xad: {  	[dreg:$0x0] =	wrdreg $0x60  }
0xae: {  	[dreg:$0x2] =	wrdreg s2  }
0xaf: {  	[dreg:$0x3] =	wrdreg s24  }
0xb0: {  	[dreg:$0x4] =	wrdreg $0x0  }
0xb1: {  	[dreg:$0x5] =	wrdreg $0x9  }
0xb2: {  	_ =	task.clear_ibuf [dreg:s7], $0x6FFFF;
	_ =	strace $0x90000046  }
0xb3: {  	s29 =	simm.s32 $0x9;
	_ =	strace $0x80000048  }
0xb4: {  	_ =	swait.ge [sflag:s29], $0x1  }
0xb5: {  	[sflag:s29] =	ssyncadd.s32 $0xFFFFFFFF  }
0xb6: {  	_ =	strace $0x90000048  }
0xb7: {  	_ =	sfence  }
0xb8: {  	s30 =	sld [smem:$0x0];
	_ =	sdelay $0x2  }
0xb9: {  	s31 =	sshll.u32 s1, $0xD;
	s1 =	sshrl.u32 s1, $0x2  }
0xba: {  	s3 =	sand.u32 $0x4000, s31;
	s1 =	sadd.s32 s1, s30  }
0xbb: {  	s0 =	sor.u32 s3, s0;
	s1 =	sshll.u32 s1, $0x11  }
0xbc: {  	s0 =	sor.u32 s1, s0  }
0xbd: {  	s0 =	sadd.s32 $0x8F2B, s0  }
0xbe: {  	[sflag:s0] =	ssyncadd.remote.s32 $0x1  }
0xbf: {  	_ =	sfence.sel $0xFFFF  }
0xc0: {  	[dreg:$0x0] =	wrdreg $0xFFFFFFFF;
	(pc) =	sbr.abs _section_cstart, $3  }
0xc1: {  	[dreg:$0x1] =	wrdreg $0xFFFFFFFF  }
0xc2: {  	_ =	task.clear_ibuf [dreg:s7], $0x2FFFF;
	_ =	strace $0x9FFFFFFF  }
0xc3: {  	(tm) =	ssettm $0x7FFFFFFF  }
tec
execute0_lowered:
.L_overlay_start_1:
0x0: {  	(tag) =	ssettag $0x1  }
0x1: {  	s5 =	rddreg [dreg:$0x0]  }
0x2: {  	s4 =	rddreg [dreg:$0x1];
	s1 =	srdreg.scid  }
0x3: {  	s0 =	stileid.u32;
	s2 =	rddreg [dreg:$0x2];
	s3 =	simm.s32 $0x0  }
0x4: {  	s11 =	simm.s32 $0x80;
	s12 =	simm.s32 $0x2990;
	s13 =	simm.s32 $0x300  }
0x5: {  	s14 =	simm.s32 $0x1;
	s15 =	simm.s32 $0x2;
	s16 =	simm.s32 $0x10  }
0x6: {  	s17 =	simm.s32 $0x2980;
	s6 =	sand.u32 $0x1, s1;
	s1 =	rddreg [dreg:$0x3]  }
0x7: {  	s20 =	simm.s32 $0x0;
	s7 =	smul.u32 $0x280, s0;
	[smem:$0x7FF] =	sst s3  }
0x8: {  	s9 =	sshll.u32 s0, $0x1;
	s18 =	sshll.u32 s0, $0x6;
	s8 =	smul.u32 $0x2800, s6  }
0x9: {  	s10 =	ssub.s32 $0x2, s6;
	s6 =	sor.u32 s6, s9;
	_ =	strace $0x80000047  }
0xa: {  	s31 =	sshrl.u32 s10, $0x1;
	s6 =	smul.u32 $0x4E2, s6;
	s8 =	sadd.s32 s7, s8  }
0xb: {  	s18 =	sor.u32 $0x1C03, s18;
	s9 =	ssub.s32 s10, s31;
	s8 =	sshrl.u32 s8, $0x3  }
0xc: {  	s10 =	simm.s32 $0x280;
	s5 =	sadd.s32 s5, s6;
	s8 =	sadd.s32 s8, s4  }
0xd: {  	s4 =	sadd.s32 s7, s2;
	s7 =	smax.u32 s9, $0x1;
	s9 =	simm.s32 $0x3  }
0xe: {  	v0 =	vimm.f32 $0.0e+00;
	v1 =	vimm.f32 $1.000000000e+00;
	s6 =	sadd.s32 $0xAE00, s8;
	s8 =	simm.s32 $0x2A10;
	s19 =	sshrl.u32 s4, $0x3  }
.LBB2_1:
0xf: {  	[tilespmem:$0x2A10] =	vst v0  }
0x10: {  	[tilespmem:$0x2A20] =	vst v0  }
0x11: {  	[tilespmem:$0x2A30] =	vst v0  }
0x12: {  	[tilespmem:$0x2A40] =	vst v0  }
0x13: {  	[tilespmem:$0x2A50] =	vst v0  }
0x14: {  	[tilespmem:$0x2A60] =	vst v0  }
0x15: {  	[tilespmem:$0x2A70] =	vst v0  }
0x16: {  	[tilespmem:$0x2A80] =	vst v0  }
0x17: {  	[tilespmem:$0x2A90] =	vst v0  }
0x18: {  	[tilespmem:$0x2AA0] =	vst v0  }
0x19: {  	[tilespmem:$0x2AB0] =	vst v0  }
0x1a: {  	[tilespmem:$0x2AC0] =	vst v0  }
0x1b: {  	[tilespmem:$0x2AD0] =	vst v0  }
0x1c: {  	[tilespmem:$0x2AE0] =	vst v0  }
0x1d: {  	[tilespmem:$0x2AF0] =	vst v0  }
0x1e: {  	[tilespmem:$0x2B00] =	vst v0  }
0x1f: {  	[tilespmem:$0x2B10] =	vst v0  }
0x20: {  	[tilespmem:$0x2B20] =	vst v0  }
0x21: {  	[tilespmem:$0x2B30] =	vst v0  }
0x22: {  	[tilespmem:$0x2B40] =	vst v0  }
0x23: {  	[tilespmem:$0x2B50] =	vst v0  }
0x24: {  	[tilespmem:$0x2B60] =	vst v0  }
0x25: {  	[tilespmem:$0x2B70] =	vst v0  }
0x26: {  	[tilespmem:$0x2B80] =	vst v0  }
0x27: {  	[tilespmem:$0x2B90] =	vst v0  }
0x28: {  	[tilespmem:$0x2BA0] =	vst v0  }
0x29: {  	[tilespmem:$0x2BB0] =	vst v0  }
0x2a: {  	[tilespmem:$0x2BC0] =	vst v0  }
0x2b: {  	[tilespmem:$0x2BD0] =	vst v0  }
0x2c: {  	[tilespmem:$0x2BE0] =	vst v0  }
0x2d: {  	[tilespmem:$0x2BF0] =	vst v0  }
0x2e: {  	[tilespmem:$0x2C00] =	vst v0  }
0x2f: {  	[tilespmem:$0x2C10] =	vst v0  }
0x30: {  	[tilespmem:$0x2C20] =	vst v0  }
0x31: {  	[tilespmem:$0x2C30] =	vst v0  }
0x32: {  	[tilespmem:$0x2C40] =	vst v0  }
0x33: {  	[tilespmem:$0x2C50] =	vst v0  }
0x34: {  	[tilespmem:$0x2C60] =	vst v0  }
0x35: {  	[tilespmem:$0x2C70] =	vst v0  }
0x36: {  	[tilespmem:$0x2C80] =	vst v0  }
0x37: {  	[tilespmem:$0x2990] =	vst v1  }
0x38: {  	[tilespmem:$0x29A0] =	vst v1  }
0x39: {  	[tilespmem:$0x29B0] =	vst v1  }
0x3a: {  	[tilespmem:$0x29C0] =	vst v1  }
0x3b: {  	[tilespmem:$0x29D0] =	vst v1  }
0x3c: {  	[tilespmem:$0x29E0] =	vst v1  }
0x3d: {  	[tilespmem:$0x29F0] =	vst v1  }
0x3e: {  	[tilespmem:$0x2A00] =	vst v1  }
0x3f: {  	[spmem:s4] =	stream.linear.scatter [tilespmem:s8], [sflag:$0x3], $0x280, $0x38;
	[tilespmem:$0x2C90] =	vst v63  }
0x40: {  	_ =	swait.ge [sflag:s9], $0x280  }
0x41: {  	[sflag:s9] =	ssyncset.done $0x0  }
0x42: {  	[sflag:s9] =	ssyncadd.s32 $0xFFFFFD80  }
0x43: {  	[tilespmem:s10], [sflag:$0x3] =	stream.linear.gather [hbm4b:s5+s3], $0x2710, $0x38;
	[tilespmem:$0x2C90] =	vst v63  }
0x44: {  	_ =	swait.ge [sflag:s9], $0x2710  }
0x45: {  	[sflag:s9] =	ssyncset.done $0x0  }
0x46: {  	[sflag:s9] =	ssyncadd.s32 $0xFFFFD8F0  }
0x47: {  	[bflag:$0x0] =	sbarrier.arrive $0xFFFF  }
0x48: {  	[spmem:s2] =	stream.indirect.scatter.add.f32 [tilespmem:s12], [sflag:$0x1], $0x1, s10, s11, $0xb8;
	[tilespmem:$0x2C90] =	vst v63  }
0x49: {  	_ = 	snop  }
0x4a: {  	[spmem:s2] =	stream.indirect.scatter.add.f32 [tilespmem:s12], [sflag:$0x2], $0x1, s13, s11, $0xb8;
	[tilespmem:$0x2C90] =	vst v63  }
0x4b: {  	_ =	swait.ge [sflag:s14], $0x80  }
0x4c: {  	[sflag:s14] =	ssyncset.done $0x0  }
0x4d: {  	s21 =	simm.s32 $0x380;
	[sflag:s14] =	ssyncadd.s32 $0xFFFFFF80  }
0x4e: {  	[spmem:s2] =	stream.indirect.scatter.add.f32 [tilespmem:s12], [sflag:$0x1], $0x1, s21, s11, $0xb8;
	[tilespmem:$0x2C90] =	vst v63  }
0x4f: {  	_ =	swait.ge [sflag:s15], $0x80  }
0x50: {  	[sflag:s15] =	ssyncset.done $0x0  }
0x51: {  	s22 =	simm.s32 $0x400;
	s21 =	simm.s32 $0xFFFF6C00;
	[sflag:s15] =	ssyncadd.s32 $0xFFFFFF80  }
.LBB2_2:
0x52: {  	[spmem:s2] =	stream.indirect.scatter.add.f32 [tilespmem:s12], [sflag:$0x2], $0x1, s22, s11, $0xb8;
	[tilespmem:$0x2C90] =	vst v63  }
0x53: {  	s22 =	smov.u32 s21  }
0x54: {  	p0 =	sne.s32 s21, $0xFFFFFC00;
	s21 =	sadd.s32 $0x400, s21;
	_ =	swait.ge [sflag:s14], $0x80  }
0x55: {  	s22 =	sshra.s32 s22, $0x2;
	[sflag:s14] =	ssyncset.done $0x0  }
.Ltmp0:
0x56: {  	s23 =	sadd.s32 $0x2980, s22;
	[sflag:s14] =	ssyncadd.s32 $0xFFFFFF80;
	(pc) =	sbr.rel @p0 .LBB2_2-.Ltmp0, $4  }
0x57: {  	[spmem:s2] =	stream.indirect.scatter.add.f32 [tilespmem:s12], [sflag:$0x1], $0x1, s23, s11, $0xb8;
	[tilespmem:$0x2C90] =	vst v63  }
0x58: {  	_ =	swait.ge [sflag:s15], $0x80  }
0x59: {  	[sflag:s15] =	ssyncset.done $0x0  }
0x5a: {  	s22 =	sadd.s32 $0x2A00, s22;
	[sflag:s15] =	ssyncadd.s32 $0xFFFFFF80  }
0x5b: {  	[spmem:s2] =	stream.indirect.scatter.add.f32 [tilespmem:s12], [sflag:$0x2], $0x1, s22, s11, $0xb8;
	[tilespmem:$0x2C90] =	vst v63  }
0x5c: {  	_ =	swait.ge [sflag:s14], $0x80  }
0x5d: {  	[sflag:s14] =	ssyncset.done $0x0  }
0x5e: {  	[sflag:s14] =	ssyncadd.s32 $0xFFFFFF80  }
0x5f: {  	_ =	swait.ge [sflag:s15], $0x80  }
0x60: {  	[sflag:s15] =	ssyncset.done $0x0  }
0x61: {  	[sflag:s15] =	ssyncadd.s32 $0xFFFFFF80  }
0x62: {  	[spmem:s2] =	stream.indirect.scatter.add.f32 [tilespmem:s12], [sflag:$0x3], $0x1, s17, s16, $0xb8;
	[tilespmem:$0x2C90] =	vst v63  }
0x63: {  	_ =	swait.ge [sflag:s9], $0x10  }
0x64: {  	s20 =	sadd.s32 $0x1, s20;
	[sflag:s9] =	ssyncset.done $0x0  }
0x65: {  	p0 =	sne.s32 s20, s7;
	[sflag:s9] =	ssyncadd.s32 $0xFFFFFFF0  }
.Ltmp1:
0x66: {  	[bflag:$0x0] =	sbarrier.arrive $0xFFFF;
	(pc) =	sbr.rel @p0 .LBB2_1-.Ltmp1, $4  }
0x67: {  	[hbm:s6], [sflag:s18] =	dma.local [spmem:s19], $0x50  }
0x68: {  	_ =	swait.ge [sflag:s9], $0x50  }
0x69: {  	[sflag:s9] =	ssyncset.done $0x0  }
0x6a: {  	[sflag:s9] =	ssyncadd.s32 $0xFFFFFFB0  }
0x6b: {  	_ =	sfence.sel $0x180000  }
0x6c: {  	[bflag:$0x0] =	sbarrier.arrive $0xFFFF  }
0x6d: {  	p0 =	sne.s32 s0, $0x0;
	_ =	strace $0x90000047  }
0x6e: {  	s0 =	sadd.s32 @!p0 $0x100000, s1;
	[bflag:$0x2] =	sbarrier.arrive $0xFFFF  }
0x6f: {  	[sflag:s0] =	ssyncadd.tile.s32 @!p0 $0x1;
	_ =	shalt  }
.Lfunc_end2:
_tile_overlayer_lowered:
.L_overlay_start_2:
0x70: {  	(tag) =	ssettag $0x2  }
0x71: {  	s0 =	rddreg [dreg:$0x0];
	s2 =	stileid.u32  }
0x72: {  	s1 =	rddreg [dreg:$0x1];
	p0 =	sne.s32 s2, $0x0  }
0x73: {  	s3 =	rddreg [dreg:$0x2];
	[bflag:$0x3] =	sbarrier.arrive $0xFFFF;
	s2 =	simm.s32 @!p0 $0x1C03  }
0x74: {  	[timem:s3], [sflag:s2] =	dma.local @!p0 [hbm:s0], s1  }
0x75: {  	s0 =	simm.s32 @!p0 $0x3  }
0x76: {  	_ =	swait.ge @!p0 [sflag:s0], s1  }
0x77: {  	s1 =	ssub.s32 @!p0 $0x0, s1;
	[sflag:s0] =	ssyncset.done @!p0 $0x0  }
0x78: {  	[sflag:s0] =	ssyncadd.s32 @!p0 s1  }
0x79: {  	[bflag:$0x3] =	sbarrier.arrive $0xFFFF  }
0x7a: {  	_ =	shalt  }

// kernel: kernel.9.cloned.1.call-start
scs
__scs_entry_jumppad:
0x0: {  	(pc) =	sbr.rel $0x88, $3  }
0x1: {  	(tag) =	ssettag $0x0;
	lr =	simm.s32 $0x1  }
0x2: {  	[smem:$0x3F9D] =	sst lr;
	_ =	strace $0xD0000000  }
0x3: {  	_ = 	snop  }
0x4: {  	_ = 	snop  }
0x5: {  	_ = 	snop  }
0x6: {  	_ = 	snop  }
0x7: {  	_ = 	snop  }
__scs_overlays_trampoline_lowered:
0x8: {  	[smem:$0x3FAC] =	sst s0  }
0x9: {  	[smem:$0x3FAD] =	sst s1  }
0xa: {  	[smem:$0x3FAE] =	sst s2  }
0xb: {  	[smem:$0x3FAF] =	sst s3  }
0xc: {  	[smem:$0x3FB0] =	sst s4  }
0xd: {  	[smem:$0x3FB1] =	sst s5  }
0xe: {  	[smem:$0x3FB2] =	sst s6  }
0xf: {  	[smem:$0x3FB3] =	sst s7  }
0x10: {  	[smem:$0x3FB4] =	sst s8  }
0x11: {  	[smem:$0x3FB5] =	sst s9;
	s0 =	simm.s32 @!p0 $0x0  }
0x12: {  	s1 =	sld [smem:$0x3F9B];
	s0 =	simm.s32 @p0 $0x1  }
0x13: {  	[smem:$0x3FB6] =	sst s0;
	s0 =	simm.s32 @!p1 $0x0  }
0x14: {  	s2 =	sld [smem:$0x3F9A];
	s0 =	simm.s32 @p1 $0x1  }
0x15: {  	[smem:$0x3FB7] =	sst s0;
	s0 =	simm.s32 @!p2 $0x0  }
0x16: {  	s3 =	sld [smem:$0x3FDB];
	s0 =	simm.s32 @p2 $0x1  }
0x17: {  	s4 =	simm.s32 $0x1BF5;
	[smem:$0x3FB9] =	sst s0  }
0x18: {  	s0 =	sld [smem:$0x3F9C];
	_ =	swait.ge [sflag:s4], $0x0  }
0x19: {  	s7 =	sld [smem:$0x3F9D]  }
0x1a: {  	s8 =	sadd.s32 $0xFFFFE003, lr  }
0x1b: {  	s9 =	sadd.s32 $0xFFFFFEF7, lr;
	s5 =	simm.s32 $0xFFFFFFFF;
	p2 =	slt.u32 s8, $0xFFFFF086  }
0x1c: {  	p1 =	slt.u32 s9, $0xF7A;
	s5 =	simm.s32 @!p2 $0x0  }
0x1d: {  	s5 =	simm.s32 @p1 $0x1;
	p0 =	seq.s32 s7, s2  }
0x1e: {  	s7 =	smul.u32 @!p0 $0xF7A, s2;
	p2 =	seq.s32 @!p0 s5, $0x0  }
0x1f: {  	s9 =	smul.u32 $0xF7A, s1;
	s8 =	simm.s32 @!p0 $0x1BF5;
	p2 =	por !p2, p0  }
0x20: {  	[sflag:s8] =	ssyncset.s32 @!p0 $0xFFFFF086;
	s6 =	sadd.s32 @!p0 s3, s7;
	s7 =	simm.s32 @!p0 $0x108  }
0x21: {  	s3 =	sadd.s32 s3, s9;
	s6 =	sadd.s32 @!p0 $0x88, s6;
	s7 =	simm.s32 @p2 $0x1082  }
0x22: {  	[simem:s7], [sflag:s8] =	dma.local @!p0 [hbm:s6], $0xF7A  }
0x23: {  	s9 =	sor.u32 $0xD0000000, s2;
	s6 =	simm.s32 $0x108;
	_ =	swait.ge @!p0 [sflag:s8], $0x0  }
0x24: {  	s3 =	sadd.s32 $0x88, s3;
	s6 =	simm.s32 @!p1 $0x1082;
	[sflag:s4] =	ssyncset.s32 $0xFFFFF086  }
0x25: {  	[simem:s6], [sflag:s4] =	dma.local [hbm:s3], $0xF7A  }
0x26: {  	[smem:$0x3F9D] =	sst s1;
	(tag) =	ssettag s2;
	_ =	strace s9  }
0x27: {  	s1 =	sld [smem:$0x3FAD]  }
0x28: {  	s2 =	sld [smem:$0x3FAE]  }
0x29: {  	s4 =	sld [smem:$0x3FB0]  }
0x2a: {  	p0 =	seq.s32 s5, $0x0;
	s5 =	sld [smem:$0x3FB1]  }
0x2b: {  	s6 =	sld [smem:$0x3FB2]  }
0x2c: {  	s7 =	sld [smem:$0x3FB3]  }
0x2d: {  	s3 =	simm.s32 $0x108;
	s8 =	sld [smem:$0x3FB4]  }
0x2e: {  	s3 =	simm.s32 @!p0 $0x1082;
	s9 =	sld [smem:$0x3FB5]  }
0x2f: {  	lr =	sadd.s32 s0, s3;
	s0 =	sld [smem:$0x3FAC]  }
0x30: {  	s3 =	sld [smem:$0x3FAF]  }
0x31: {  	[smem:$0x3FB8] =	sst s10  }
0x32: {  	s10 =	sld [smem:$0x3FB6];
	_ =	sdelay $0x3  }
0x33: {  	p0 =	seq.s32 s10, $0x1;
	s10 =	sld [smem:$0x3FB8];
	_ =	sdelay $0x3  }
0x34: {  	[smem:$0x3FB8] =	sst s10  }
0x35: {  	s10 =	sld [smem:$0x3FB7];
	_ =	sdelay $0x3  }
0x36: {  	p1 =	seq.s32 s10, $0x1;
	s10 =	sld [smem:$0x3FB8];
	_ =	sdelay $0x3  }
0x37: {  	[smem:$0x3FB8] =	sst s10  }
0x38: {  	s10 =	sld [smem:$0x3FB9]  }
0x39: {  	_ = 	snop;
	(pc) =	sbr.ind lr, $3  }
0x3a: {  	_ = 	snop  }
0x3b: {  	_ = 	snop  }
0x3c: {  	p2 =	seq.s32 s10, $0x1;
	s10 =	sld [smem:$0x3FB8]  }
0x3d: {  	_ =	shalt  }
0x3e: {  	_ =	shalt  }
0x3f: {  	_ =	shalt  }
0x40: {  	_ =	shalt  }
0x41: {  	_ =	shalt  }
0x42: {  	_ =	shalt  }
0x43: {  	_ =	shalt  }
0x44: {  	_ =	shalt  }
0x45: {  	_ =	shalt  }
0x46: {  	_ =	shalt  }
0x47: {  	_ =	shalt  }
0x48: {  	_ =	shalt  }
0x49: {  	_ =	shalt  }
0x4a: {  	_ =	shalt  }
0x4b: {  	_ =	shalt  }
0x4c: {  	_ =	shalt  }
0x4d: {  	_ =	shalt  }
0x4e: {  	_ =	shalt  }
0x4f: {  	_ =	shalt  }
0x50: {  	_ =	shalt  }
0x51: {  	_ =	shalt  }
0x52: {  	_ =	shalt  }
0x53: {  	_ =	shalt  }
0x54: {  	_ =	shalt  }
0x55: {  	_ =	shalt  }
0x56: {  	_ =	shalt  }
0x57: {  	_ =	shalt  }
0x58: {  	_ =	shalt  }
0x59: {  	_ =	shalt  }
0x5a: {  	_ =	shalt  }
0x5b: {  	_ =	shalt  }
0x5c: {  	_ =	shalt  }
0x5d: {  	_ =	shalt  }
0x5e: {  	_ =	shalt  }
0x5f: {  	_ =	shalt  }
0x60: {  	_ =	shalt  }
0x61: {  	_ =	shalt  }
0x62: {  	_ =	shalt  }
0x63: {  	_ =	shalt  }
0x64: {  	_ =	shalt  }
0x65: {  	_ =	shalt  }
0x66: {  	_ =	shalt  }
0x67: {  	_ =	shalt  }
0x68: {  	_ =	shalt  }
0x69: {  	_ =	shalt  }
0x6a: {  	_ =	shalt  }
0x6b: {  	_ =	shalt  }
0x6c: {  	_ =	shalt  }
0x6d: {  	_ =	shalt  }
0x6e: {  	_ =	shalt  }
0x6f: {  	_ =	shalt  }
0x70: {  	_ =	shalt  }
0x71: {  	_ =	shalt  }
0x72: {  	_ =	shalt  }
0x73: {  	_ =	shalt  }
0x74: {  	_ =	shalt  }
0x75: {  	_ =	shalt  }
0x76: {  	_ =	shalt  }
0x77: {  	_ =	shalt  }
0x78: {  	_ =	shalt  }
0x79: {  	_ =	shalt  }
0x7a: {  	_ =	shalt  }
0x7b: {  	_ =	shalt  }
0x7c: {  	_ =	shalt  }
0x7d: {  	_ =	shalt  }
0x7e: {  	_ =	shalt  }
0x7f: {  	_ =	shalt  }
0x80: {  	_ =	shalt  }
0x81: {  	_ =	shalt  }
0x82: {  	_ =	shalt  }
0x83: {  	_ =	shalt  }
0x84: {  	_ =	shalt  }
0x85: {  	_ =	shalt  }
0x86: {  	_ =	shalt  }
0x87: {  	_ =	shalt  }
.Lfunc_end0:
.L_simem_size_0:
called_computation.1_lowered:
.L_overlay_start_0:
0x88: {  	s2 =	sld [smem:$0x3FD9]  }
0x89: {  	s3 =	sld [smem:$0x3FFE];
	_ =	sdelay $0x1  }
0x8a: {  	s1 =	srdreg.scid  }
0x8b: {  	s0 =	sand.u32 $0x1, s1  }
0x8c: {  	s17 =	sshll.u32 s0, $0xA;
	s2 =	sadd.s32 s3, s2  }
0x8d: {  	s2 =	sadd.s32 s2, s17  }
0x8e: {  	[smem:$0x3FC4] =	sst s2  }
0x8f: {  	_ = 	snop  }
0x90: {  	s2 =	sld [smem:$0x3FD0];
	(tm) =	ssettm $0x1  }
0x91: {  	s18 =	sld [smem:$0x3FFB];
	_ =	sdelay $0x3  }
0x92: {  	_ =	strace s18  }
0x93: {  	s3 =	sld [smem:$0x3FFC];
	_ =	sdelay $0x3  }
0x94: {  	_ =	strace s3  }
0x95: {  	s3 =	sld [smem:$0x3FFD];
	_ =	sdelay $0x3  }
0x96: {  	_ =	strace s3  }
0x97: {  	_ =	strace $0x8FFFFFFF  }
0x98: {  	s19 =	sld [smem:$0x3FDB];
	_ =	sdelay $0x1  }
0x99: {  	s4 =	simm.s32 $_scs_section_size  }
0x9a: {  	s5 =	simm.s32 $_size__tile_overlayer_lowered;
	s6 =	simm.s32 $_tile_overlayer_lowered  }
0x9b: {  	s22 =	simm.s32 $0x1BFF;
	s21 =	sshll.u32 s6, $0x1;
	s3 =	sadd.s32 s4, s19  }
0x9c: {  	s7 =	simm.s32 $0x0;
	s20 =	sshll.u32 s5, $0x1;
	s5 =	sadd.s32 s21, s3  }
0x9d: {  	[timem:s7], [sflag:s22] =	dma.local [hbm:s5], s20  }
0x9e: {  	_ =	swait.ge [sflag:s22], s20  }
0x9f: {  	s4 =	ssub.s32 $0x0, s20;
	[sflag:s22] =	ssyncset.done $0x0  }
0xa0: {  	[sflag:s22] =	ssyncadd.s32 s4;
	_ =	sdelay $0x1  }
0xa1: {  	s23 =	simm.s32 $0x1B8B  }
0xa2: {  	_ =	swait.ge [sflag:s23], $0x1  }
0xa3: {  	[sflag:s23] =	ssyncset.done $0x0  }
0xa4: {  	s25 =	simm.s32 $0x1B8E;
	s24 =	sld [smem:$0x3FFE];
	[sflag:s23] =	ssyncadd.s32 $0xFFFFFFFF  }
0xa5: {  	s26 =	simm.s32 $execute0_lowered;
	[smem:$0x3FD2] =	sst s25  }
0xa6: {  	s5 =	sshll.u32 s26, $0x1;
	_ =	strace $0x80000049;
	[dreg:$0x1] =	wrdreg $0xFFFFFFFF  }
0xa7: {  	s28 =	simm.s32 $_size_execute0_lowered;
	s3 =	sadd.s32 s3, s5;
	[dreg:$0x0] =	wrdreg $0x0  }
0xa8: {  	s5 =	sshll.u32 s28, $0x1;
	[dreg:$0x2] =	wrdreg s3  }
0xa9: {  	[dreg:$0x3] =	wrdreg s5  }
0xaa: {  	[dreg:$0x4] =	wrdreg $0xC0  }
0xab: {  	_ =	task [dreg:s7], $0x5FFFF  }
0xac: {  	[dreg:$0x1] =	wrdreg $0xFFFFFFFF  }
0xad: {  	[dreg:$0x0] =	wrdreg $0x60  }
0xae: {  	[dreg:$0x2] =	wrdreg s24  }
0xaf: {  	[dreg:$0x3] =	wrdreg s2  }
0xb0: {  	[dreg:$0x4] =	wrdreg $0xA0000  }
0xb1: {  	[dreg:$0x5] =	wrdreg $0x0  }
0xb2: {  	[dreg:$0x6] =	wrdreg $0x9  }
0xb3: {  	_ =	task.clear_ibuf [dreg:s7], $0x7FFFF;
	_ =	strace $0x90000049  }
0xb4: {  	s29 =	simm.s32 $0x9;
	_ =	strace $0x8000004B  }
0xb5: {  	_ =	swait.ge [sflag:s29], $0x1  }
0xb6: {  	[sflag:s29] =	ssyncadd.s32 $0xFFFFFFFF  }
0xb7: {  	_ =	strace $0x9000004B  }
0xb8: {  	_ =	sfence  }
0xb9: {  	s30 =	sld [smem:$0x0];
	_ =	sdelay $0x2  }
0xba: {  	s31 =	sshll.u32 s1, $0xD;
	s1 =	sshrl.u32 s1, $0x2  }
0xbb: {  	s3 =	sand.u32 $0x4000, s31;
	s1 =	sadd.s32 s1, s30  }
0xbc: {  	s0 =	sor.u32 s3, s0;
	s1 =	sshll.u32 s1, $0x11  }
0xbd: {  	s0 =	sor.u32 s1, s0  }
0xbe: {  	s0 =	sadd.s32 $0x8F2B, s0  }
0xbf: {  	[sflag:s0] =	ssyncadd.remote.s32 $0x1  }
0xc0: {  	_ =	sfence.sel $0xFFFF  }
0xc1: {  	[dreg:$0x0] =	wrdreg $0xFFFFFFFF;
	(pc) =	sbr.abs _section_cstart, $3  }
0xc2: {  	[dreg:$0x1] =	wrdreg $0xFFFFFFFF  }
0xc3: {  	_ =	task.clear_ibuf [dreg:s7], $0x2FFFF;
	_ =	strace $0x9FFFFFFF  }
0xc4: {  	(tm) =	ssettm $0x7FFFFFFF  }
0xc5: {  	_ =	shalt  }
tec
execute0_lowered:
.L_overlay_start_1:
0x0: {  	(tag) =	ssettag $0x1  }
0x1: {  	s0 =	rddreg [dreg:$0x0]  }
0x2: {  	s1 =	rddreg [dreg:$0x1]  }
0x3: {  	s3 =	srdreg.scid;
	s13 =	stileid.u32  }
0x4: {  	s2 =	rddreg [dreg:$0x2];
	s20 =	smul.u32 $0x14000, s13  }
0x5: {  	s5 =	sand.u32 $0x1, s3;
	s4 =	sshll.u32 s13, $0x1;
	s21 =	smul.u32 $0x28000, s13  }
0x6: {  	s3 =	rddreg [dreg:$0x3];
	s11 =	smul.u32 $0xA000, s13;
	s6 =	sor.u32 s5, s4  }
0x7: {  	s4 =	simm.s32 $0x0;
	s10 =	sshll.u32 s5, $0x6;
	s7 =	smul.u32 $0x4E2, s6  }
0x8: {  	[smem:$0x7FF] =	sst s4;
	s9 =	sshrl.u32 s20, $0x3;
	s6 =	sor.u32 s10, s20  }
0x9: {  	s10 =	sshrl.u32 s21, $0x2;
	s12 =	sadd.s32 s11, s2;
	s9 =	sadd.s32 s9, s0  }
0xa: {  	_ =	strace $0x8000004A;
	s10 =	sadd.s32 s10, s3;
	s23 =	sadd.s32 $0xAE00, s9  }
0xb: {  	s6 =	sshrl.u32 s6, $0x3;
	s24 =	sadd.s32 $0x800, s10;
	[dreg:$0x5] =	wrdreg s23  }
0xc: {  	s8 =	sadd.s32 s7, s0;
	s25 =	sadd.s32 $0x1000, s10;
	[dreg:$0x6] =	wrdreg s24  }
0xd: {  	s0 =	sadd.s32 s6, s0;
	s26 =	sadd.s32 $0x1800, s10;
	[dreg:$0x7] =	wrdreg s25  }
0xe: {  	s6 =	sadd.s32 s11, s3;
	s11 =	sadd.s32 $0x2000, s10;
	[dreg:$0x8] =	wrdreg s26  }
0xf: {  	s14 =	sadd.s32 $0x2800, s10;
	[dreg:$0x9] =	wrdreg s11  }
0x10: {  	s5 =	ssub.s32 $0x2, s5;
	s15 =	sadd.s32 $0x3000, s10;
	[dreg:$0xa] =	wrdreg s14  }
0x11: {  	s22 =	sshrl.u32 s5, $0x1;
	s16 =	sadd.s32 $0x3800, s10;
	[dreg:$0xb] =	wrdreg s15  }
0x12: {  	s5 =	ssub.s32 s5, s22;
	s17 =	sadd.s32 $0x4000, s10;
	[dreg:$0xc] =	wrdreg s16  }
0x13: {  	s31 =	sshrl.u32 s12, $0x3;
	s18 =	sadd.s32 $0x4800, s10;
	[dreg:$0xd] =	wrdreg s17  }
0x14: {  	s12 =	simm.s32 $0x7;
	s19 =	sadd.s32 $0x5000, s10;
	[dreg:$0xe] =	wrdreg s18  }
0x15: {  	s20 =	sadd.s32 $0x5800, s10;
	s21 =	sadd.s32 $0x6000, s10;
	[dreg:$0xf] =	wrdreg s19  }
0x16: {  	s1 =	sadd.s32 s1, s7;
	s22 =	sadd.s32 $0x6800, s10;
	[dreg:$0x10] =	wrdreg s20  }
0x17: {  	s30 =	smax.u32 s5, $0x1;
	s5 =	simm.s32 $0x1;
	[dreg:$0x11] =	wrdreg s21  }
0x18: {  	s7 =	simm.s32 $0x8;
	s9 =	simm.s32 $0x1EE20;
	[dreg:$0x12] =	wrdreg s1  }
0x19: {  	[dreg:$0x13] =	wrdreg s22;
	s23 =	sadd.s32 $0x7000, s10;
	s24 =	sadd.s32 $0x7800, s10  }
0x1a: {  	s25 =	sadd.s32 $0x8000, s10;
	s26 =	sadd.s32 $0x8800, s10;
	s28 =	sadd.s32 $0x1000, s8  }
0x1b: {  	s29 =	sadd.s32 $0x32E00, s0;
	s1 =	sshll.u32 s13, $0x6;
	s8 =	simm.s32 $0x10  }
0x1c: {  	s11 =	simm.s32 $0x16710;
	s13 =	simm.s32 $0x80;
	s14 =	simm.s32 $0x18E20  }
0x1d: {  	s15 =	simm.s32 $0x1AE20;
	s16 =	simm.s32 $0x1CE20;
	[dreg:$0x14] =	wrdreg s23  }
0x1e: {  	s17 =	simm.s32 $0x2;
	s18 =	simm.s32 $0x4;
	[dreg:$0x15] =	wrdreg s24  }
0x1f: {  	s19 =	simm.s32 $0x3;
	s20 =	simm.s32 $0x5;
	[dreg:$0x16] =	wrdreg s25  }
0x20: {  	s21 =	simm.s32 $0x6;
	[dreg:$0x17] =	wrdreg s26;
	s25 =	sadd.s32 $0x9000, s10  }
0x21: {  	v0 =	vimm.f32 $0.0e+00;
	s26 =	sadd.s32 $0x9800, s10;
	s0 =	sor.u32 $0x1C07, s1;
	s10 =	simm.s32 $0x14000  }
.LBB2_1:
0x22: {  	s23 =	simm.s32 $0x100;
	s22 =	simm.s32 $0x0  }
.LBB2_2:
0x23: {  	p0 =	sne.s32 s23, $0x1F00;
	[tilespmem:s22+$0x1EE50] =	vst v0;
	s24 =	smov.u32 s23;
	s23 =	sadd.s32 $0x100, s23  }
.Ltmp0:
0x24: {  	[tilespmem:s22+$0x1EE40] =	vst v0;
	(pc) =	sbr.rel @p0 .LBB2_2-.Ltmp0, $3  }
0x25: {  	[tilespmem:s22+$0x1EE20] =	vst v0  }
0x26: {  	[tilespmem:s22+$0x1EE30] =	vst v0;
	_ =	sdelay $0x1  }
0x27: {  	s22 =	sshra.s32 s24, $0x2  }
0x28: {  	[tilespmem:s22+$0x1EE50] =	vst v0  }
0x29: {  	[tilespmem:s22+$0x1EE40] =	vst v0  }
0x2a: {  	[tilespmem:s22+$0x1EE20] =	vst v0  }
0x2b: {  	[tilespmem:s22+$0x1EE30] =	vst v0;
	s24 =	rddreg [dreg:$0x5]  }
0x2c: {  	[spmem:s31@s7], [sflag:s0] =	dma.strided [hbm:s24@s8], $0x1400, s5, $0x8   }
0x2d: {  	[spmem:s6] =	stream.linear.scatter [tilespmem:s9], [sflag:$0x8], $0x800, $0x38;
	[tilespmem:$0x1F620] =	vst v63  }
0x2e: {  	_ =	swait.ge [sflag:s7], $0x800  }
0x2f: {  	[sflag:s7] =	ssyncset.done $0x0  }
0x30: {  	s23 =	rddreg [dreg:$0x6];
	[sflag:s7] =	ssyncadd.s32 $0xFFFFF800  }
0x31: {  	[spmem:s23] =	stream.linear.scatter [tilespmem:s9], [sflag:$0x8], $0x800, $0x38;
	[tilespmem:$0x1F620] =	vst v63  }
0x32: {  	_ =	swait.ge [sflag:s7], $0x800  }
0x33: {  	[sflag:s7] =	ssyncset.done $0x0  }
0x34: {  	s24 =	rddreg [dreg:$0x7];
	[sflag:s7] =	ssyncadd.s32 $0xFFFFF800  }
0x35: {  	[spmem:s24] =	stream.linear.scatter [tilespmem:s9], [sflag:$0x8], $0x800, $0x38;
	[tilespmem:$0x1F620] =	vst v63  }
0x36: {  	_ =	swait.ge [sflag:s7], $0x800  }
0x37: {  	[sflag:s7] =	ssyncset.done $0x0  }
0x38: {  	s23 =	rddreg [dreg:$0x8];
	[sflag:s7] =	ssyncadd.s32 $0xFFFFF800  }
0x39: {  	[spmem:s23] =	stream.linear.scatter [tilespmem:s9], [sflag:$0x8], $0x800, $0x38;
	[tilespmem:$0x1F620] =	vst v63  }
0x3a: {  	_ =	swait.ge [sflag:s7], $0x800  }
0x3b: {  	[sflag:s7] =	ssyncset.done $0x0  }
0x3c: {  	s24 =	rddreg [dreg:$0x9];
	[sflag:s7] =	ssyncadd.s32 $0xFFFFF800  }
0x3d: {  	[spmem:s24] =	stream.linear.scatter [tilespmem:s9], [sflag:$0x8], $0x800, $0x38;
	[tilespmem:$0x1F620] =	vst v63  }
0x3e: {  	_ =	swait.ge [sflag:s7], $0x800  }
0x3f: {  	[sflag:s7] =	ssyncset.done $0x0  }
0x40: {  	s23 =	rddreg [dreg:$0xa];
	[sflag:s7] =	ssyncadd.s32 $0xFFFFF800  }
0x41: {  	[spmem:s23] =	stream.linear.scatter [tilespmem:s9], [sflag:$0x8], $0x800, $0x38;
	[tilespmem:$0x1F620] =	vst v63  }
0x42: {  	_ =	swait.ge [sflag:s7], $0x800  }
0x43: {  	[sflag:s7] =	ssyncset.done $0x0  }
0x44: {  	s24 =	rddreg [dreg:$0xb];
	[sflag:s7] =	ssyncadd.s32 $0xFFFFF800  }
0x45: {  	[spmem:s24] =	stream.linear.scatter [tilespmem:s9], [sflag:$0x8], $0x800, $0x38;
	[tilespmem:$0x1F620] =	vst v63  }
0x46: {  	_ =	swait.ge [sflag:s7], $0x800  }
0x47: {  	[sflag:s7] =	ssyncset.done $0x0  }
0x48: {  	s23 =	rddreg [dreg:$0xc];
	[sflag:s7] =	ssyncadd.s32 $0xFFFFF800  }
0x49: {  	[spmem:s23] =	stream.linear.scatter [tilespmem:s9], [sflag:$0x8], $0x800, $0x38;
	[tilespmem:$0x1F620] =	vst v63  }
0x4a: {  	_ =	swait.ge [sflag:s7], $0x800  }
0x4b: {  	[sflag:s7] =	ssyncset.done $0x0  }
0x4c: {  	s24 =	rddreg [dreg:$0xd];
	[sflag:s7] =	ssyncadd.s32 $0xFFFFF800  }
0x4d: {  	[spmem:s24] =	stream.linear.scatter [tilespmem:s9], [sflag:$0x8], $0x800, $0x38;
	[tilespmem:$0x1F620] =	vst v63  }
0x4e: {  	_ =	swait.ge [sflag:s7], $0x800  }
0x4f: {  	[sflag:s7] =	ssyncset.done $0x0  }
0x50: {  	s23 =	rddreg [dreg:$0xe];
	[sflag:s7] =	ssyncadd.s32 $0xFFFFF800  }
0x51: {  	[spmem:s23] =	stream.linear.scatter [tilespmem:s9], [sflag:$0x8], $0x800, $0x38;
	[tilespmem:$0x1F620] =	vst v63  }
0x52: {  	_ =	swait.ge [sflag:s7], $0x800  }
0x53: {  	[sflag:s7] =	ssyncset.done $0x0  }
0x54: {  	s24 =	rddreg [dreg:$0xf];
	[sflag:s7] =	ssyncadd.s32 $0xFFFFF800  }
0x55: {  	[spmem:s24] =	stream.linear.scatter [tilespmem:s9], [sflag:$0x8], $0x800, $0x38;
	[tilespmem:$0x1F620] =	vst v63  }
0x56: {  	_ =	swait.ge [sflag:s7], $0x800  }
0x57: {  	[sflag:s7] =	ssyncset.done $0x0  }
0x58: {  	s23 =	rddreg [dreg:$0x10];
	[sflag:s7] =	ssyncadd.s32 $0xFFFFF800  }
0x59: {  	[spmem:s23] =	stream.linear.scatter [tilespmem:s9], [sflag:$0x8], $0x800, $0x38;
	[tilespmem:$0x1F620] =	vst v63  }
0x5a: {  	_ =	swait.ge [sflag:s7], $0x800  }
0x5b: {  	[sflag:s7] =	ssyncset.done $0x0  }
0x5c: {  	s24 =	rddreg [dreg:$0x11];
	[sflag:s7] =	ssyncadd.s32 $0xFFFFF800  }
0x5d: {  	[spmem:s24] =	stream.linear.scatter [tilespmem:s9], [sflag:$0x8], $0x800, $0x38;
	[tilespmem:$0x1F620] =	vst v63  }
0x5e: {  	_ =	swait.ge [sflag:s7], $0x800  }
0x5f: {  	[sflag:s7] =	ssyncset.done $0x0  }
0x60: {  	s23 =	rddreg [dreg:$0x13];
	[sflag:s7] =	ssyncadd.s32 $0xFFFFF800  }
0x61: {  	[spmem:s23] =	stream.linear.scatter [tilespmem:s9], [sflag:$0x8], $0x800, $0x38;
	[tilespmem:$0x1F620] =	vst v63  }
0x62: {  	_ =	swait.ge [sflag:s7], $0x800  }
0x63: {  	[sflag:s7] =	ssyncset.done $0x0  }
0x64: {  	s24 =	rddreg [dreg:$0x14];
	[sflag:s7] =	ssyncadd.s32 $0xFFFFF800  }
0x65: {  	[spmem:s24] =	stream.linear.scatter [tilespmem:s9], [sflag:$0x8], $0x800, $0x38;
	[tilespmem:$0x1F620] =	vst v63  }
0x66: {  	_ =	swait.ge [sflag:s7], $0x800  }
0x67: {  	[sflag:s7] =	ssyncset.done $0x0  }
0x68: {  	s23 =	rddreg [dreg:$0x15];
	[sflag:s7] =	ssyncadd.s32 $0xFFFFF800  }
0x69: {  	[spmem:s23] =	stream.linear.scatter [tilespmem:s9], [sflag:$0x8], $0x800, $0x38;
	[tilespmem:$0x1F620] =	vst v63  }
0x6a: {  	_ =	swait.ge [sflag:s7], $0x800  }
0x6b: {  	[sflag:s7] =	ssyncset.done $0x0  }
0x6c: {  	s24 =	rddreg [dreg:$0x16];
	[sflag:s7] =	ssyncadd.s32 $0xFFFFF800  }
0x6d: {  	[spmem:s24] =	stream.linear.scatter [tilespmem:s9], [sflag:$0x8], $0x800, $0x38;
	[tilespmem:$0x1F620] =	vst v63  }
0x6e: {  	_ =	swait.ge [sflag:s7], $0x800  }
0x6f: {  	[sflag:s7] =	ssyncset.done $0x0  }
0x70: {  	s23 =	rddreg [dreg:$0x17];
	[sflag:s7] =	ssyncadd.s32 $0xFFFFF800  }
0x71: {  	[spmem:s23] =	stream.linear.scatter [tilespmem:s9], [sflag:$0x8], $0x800, $0x38;
	[tilespmem:$0x1F620] =	vst v63  }
0x72: {  	_ =	swait.ge [sflag:s7], $0x800  }
0x73: {  	[sflag:s7] =	ssyncset.done $0x0  }
0x74: {  	[sflag:s7] =	ssyncadd.s32 $0xFFFFF800  }
0x75: {  	[spmem:s25] =	stream.linear.scatter [tilespmem:s9], [sflag:$0x8], $0x800, $0x38;
	[tilespmem:$0x1F620] =	vst v63  }
0x76: {  	_ =	swait.ge [sflag:s7], $0x800  }
0x77: {  	[sflag:s7] =	ssyncset.done $0x0  }
0x78: {  	[sflag:s7] =	ssyncadd.s32 $0xFFFFF800  }
0x79: {  	[spmem:s26] =	stream.linear.scatter [tilespmem:s9], [sflag:$0x8], $0x800, $0x38;
	[tilespmem:$0x1F620] =	vst v63  }
0x7a: {  	_ =	swait.ge [sflag:s7], $0x800  }
0x7b: {  	[sflag:s7] =	ssyncset.done $0x0  }
0x7c: {  	s24 =	simm.s32 $0x0;
	[sflag:s7] =	ssyncadd.s32 $0xFFFFF800  }
0x7d: {  	[tilespmem:s10], [sflag:$0x8] =	stream.linear.gather [hbm4b:s28+s24], $0x2710, $0x38;
	[tilespmem:$0x1F620] =	vst v63  }
0x7e: {  	_ =	swait.ge [sflag:s7], $0x2710  }
0x7f: {  	[sflag:s7] =	ssyncset.done $0x0  }
0x80: {  	s23 =	rddreg [dreg:$0x12];
	[sflag:s7] =	ssyncadd.s32 $0xFFFFD8F0  }
0x81: {  	[tilespmem:s11], [sflag:$0x8] =	stream.linear.gather [hbm4b:s23+s24], $0x2710, $0x38;
	[tilespmem:$0x1F620] =	vst v63  }
0x82: {  	_ =	swait.ge [sflag:s7], $0x2710  }
0x83: {  	[sflag:s7] =	ssyncset.done $0x0  }
0x84: {  	[sflag:s7] =	ssyncadd.s32 $0xFFFFD8F0  }
0x85: {  	_ =	swait.ge [sflag:s12], $0x1400  }
0x86: {  	[sflag:s12] =	ssyncset.done $0x0  }
0x87: {  	[sflag:s12] =	ssyncadd.s32 $0xFFFFEC00  }
0x88: {  	[bflag:$0x0] =	sbarrier.arrive $0xFFFF  }
0x89: {  	[tilespmem:s14], [sflag:$0x1] =	stream.indirect.gather [spmem:s2], $0x40, s10, s13, $0xb8;
	[tilespmem:$0x1F620] =	vst v63  }
0x8a: {  	s23 =	simm.s32 $0x14080  }
0x8b: {  	[tilespmem:s15], [sflag:$0x2] =	stream.indirect.gather [spmem:s2], $0x40, s23, s13, $0xb8;
	[tilespmem:$0x1F620] =	vst v63  }
0x8c: {  	_ =	swait.ge [sflag:s5], $0x2000  }
0x8d: {  	[sflag:s5] =	ssyncset.done $0x0  }
0x8e: {  	[sflag:s5] =	ssyncadd.s32 $0xFFFFE000  }
0x8f: {  	[spmem:s3] =	stream.indirect.scatter.add.f32 [tilespmem:s14], [sflag:$0x4], $0x40, s11, s13, $0xb8;
	[tilespmem:$0x1F620] =	vst v63  }
0x90: {  	s24 =	simm.s32 $0x14100  }
0x91: {  	[tilespmem:s16], [sflag:$0x3] =	stream.indirect.gather [spmem:s2], $0x40, s24, s13, $0xb8;
	[tilespmem:$0x1F620] =	vst v63  }
0x92: {  	_ =	swait.ge [sflag:s17], $0x2000  }
0x93: {  	[sflag:s17] =	ssyncset.done $0x0  }
0x94: {  	s23 =	simm.s32 $0x16790;
	[sflag:s17] =	ssyncadd.s32 $0xFFFFE000  }
0x95: {  	[spmem:s3] =	stream.indirect.scatter.add.f32 [tilespmem:s15], [sflag:$0x5], $0x40, s23, s13, $0xb8;
	[tilespmem:$0x1F620] =	vst v63  }
0x96: {  	_ =	swait.ge [sflag:s18], $0x2000  }
0x97: {  	[sflag:s18] =	ssyncset.done $0x0  }
0x98: {  	s24 =	simm.s32 $0x14180;
	[sflag:s18] =	ssyncadd.s32 $0xFFFFE000  }
0x99: {  	[tilespmem:s14], [sflag:$0x1] =	stream.indirect.gather [spmem:s2], $0x40, s24, s13, $0xb8;
	[tilespmem:$0x1F620] =	vst v63  }
0x9a: {  	_ =	swait.ge [sflag:s19], $0x2000  }
0x9b: {  	[sflag:s19] =	ssyncset.done $0x0  }
0x9c: {  	s23 =	simm.s32 $0x16810;
	[sflag:s19] =	ssyncadd.s32 $0xFFFFE000  }
0x9d: {  	[spmem:s3] =	stream.indirect.scatter.add.f32 [tilespmem:s16], [sflag:$0x6], $0x40, s23, s13, $0xb8;
	[tilespmem:$0x1F620] =	vst v63  }
0x9e: {  	_ =	swait.ge [sflag:s20], $0x2000  }
0x9f: {  	[sflag:s20] =	ssyncset.done $0x0  }
0xa0: {  	s24 =	simm.s32 $0x14200;
	[sflag:s20] =	ssyncadd.s32 $0xFFFFE000  }
0xa1: {  	[tilespmem:s15], [sflag:$0x2] =	stream.indirect.gather [spmem:s2], $0x40, s24, s13, $0xb8;
	[tilespmem:$0x1F620] =	vst v63  }
0xa2: {  	_ =	swait.ge [sflag:s5], $0x2000  }
0xa3: {  	[sflag:s5] =	ssyncset.done $0x0  }
0xa4: {  	s23 =	simm.s32 $0x16890;
	[sflag:s5] =	ssyncadd.s32 $0xFFFFE000  }
0xa5: {  	[spmem:s3] =	stream.indirect.scatter.add.f32 [tilespmem:s14], [sflag:$0x4], $0x40, s23, s13, $0xb8;
	[tilespmem:$0x1F620] =	vst v63  }
0xa6: {  	_ =	swait.ge [sflag:s21], $0x2000  }
0xa7: {  	[sflag:s21] =	ssyncset.done $0x0  }
0xa8: {  	s24 =	simm.s32 $0x14280;
	[sflag:s21] =	ssyncadd.s32 $0xFFFFE000  }
0xa9: {  	[tilespmem:s16], [sflag:$0x3] =	stream.indirect.gather [spmem:s2], $0x40, s24, s13, $0xb8;
	[tilespmem:$0x1F620] =	vst v63  }
0xaa: {  	_ =	swait.ge [sflag:s17], $0x2000  }
0xab: {  	[sflag:s17] =	ssyncset.done $0x0  }
0xac: {  	s23 =	simm.s32 $0x16910;
	[sflag:s17] =	ssyncadd.s32 $0xFFFFE000  }
0xad: {  	[spmem:s3] =	stream.indirect.scatter.add.f32 [tilespmem:s15], [sflag:$0x5], $0x40, s23, s13, $0xb8;
	[tilespmem:$0x1F620] =	vst v63  }
0xae: {  	_ =	swait.ge [sflag:s18], $0x2000  }
0xaf: {  	[sflag:s18] =	ssyncset.done $0x0  }
0xb0: {  	s24 =	simm.s32 $0x14300;
	[sflag:s18] =	ssyncadd.s32 $0xFFFFE000  }
0xb1: {  	[tilespmem:s14], [sflag:$0x1] =	stream.indirect.gather [spmem:s2], $0x40, s24, s13, $0xb8;
	[tilespmem:$0x1F620] =	vst v63  }
0xb2: {  	_ =	swait.ge [sflag:s19], $0x2000  }
0xb3: {  	[sflag:s19] =	ssyncset.done $0x0  }
0xb4: {  	s22 =	simm.s32 $0x600;
	s23 =	simm.s32 $0x16990;
	[sflag:s19] =	ssyncadd.s32 $0xFFFFE000  }
.LBB2_4:
0xb5: {  	[spmem:s3] =	stream.indirect.scatter.add.f32 [tilespmem:s16], [sflag:$0x6], $0x40, s23, s13, $0xb8;
	[tilespmem:$0x1F620] =	vst v63  }
0xb6: {  	s23 =	smov.u32 s22;
	s22 =	sadd.s32 $0x600, s22;
	_ =	swait.ge [sflag:s20], $0x2000  }
0xb7: {  	s23 =	sshra.s32 s23, $0x2;
	p0 =	sne.s32 s22, $0x9000;
	[sflag:s20] =	ssyncset.done $0x0  }
0xb8: {  	s24 =	sadd.s32 $0x14200, s23;
	[sflag:s20] =	ssyncadd.s32 $0xFFFFE000  }
0xb9: {  	[tilespmem:s15], [sflag:$0x2] =	stream.indirect.gather [spmem:s2], $0x40, s24, s13, $0xb8;
	[tilespmem:$0x1F620] =	vst v63  }
0xba: {  	_ =	swait.ge [sflag:s5], $0x2000  }
0xbb: {  	[sflag:s5] =	ssyncset.done $0x0  }
0xbc: {  	s24 =	sadd.s32 $0x16890, s23;
	[sflag:s5] =	ssyncadd.s32 $0xFFFFE000  }
0xbd: {  	[spmem:s3] =	stream.indirect.scatter.add.f32 [tilespmem:s14], [sflag:$0x4], $0x40, s24, s13, $0xb8;
	[tilespmem:$0x1F620] =	vst v63  }
0xbe: {  	_ =	swait.ge [sflag:s21], $0x2000  }
0xbf: {  	[sflag:s21] =	ssyncset.done $0x0  }
0xc0: {  	s24 =	sadd.s32 $0x14280, s23;
	[sflag:s21] =	ssyncadd.s32 $0xFFFFE000  }
0xc1: {  	[tilespmem:s16], [sflag:$0x3] =	stream.indirect.gather [spmem:s2], $0x40, s24, s13, $0xb8;
	[tilespmem:$0x1F620] =	vst v63  }
0xc2: {  	_ =	swait.ge [sflag:s17], $0x2000  }
0xc3: {  	[sflag:s17] =	ssyncset.done $0x0  }
0xc4: {  	s24 =	sadd.s32 $0x16910, s23;
	[sflag:s17] =	ssyncadd.s32 $0xFFFFE000  }
0xc5: {  	[spmem:s3] =	stream.indirect.scatter.add.f32 [tilespmem:s15], [sflag:$0x5], $0x40, s24, s13, $0xb8;
	[tilespmem:$0x1F620] =	vst v63  }
0xc6: {  	_ =	swait.ge [sflag:s18], $0x2000  }
0xc7: {  	[sflag:s18] =	ssyncset.done $0x0  }
.Ltmp1:
0xc8: {  	s24 =	sadd.s32 $0x14300, s23;
	[sflag:s18] =	ssyncadd.s32 $0xFFFFE000;
	(pc) =	sbr.rel @p0 .LBB2_4-.Ltmp1, $4  }
0xc9: {  	[tilespmem:s14], [sflag:$0x1] =	stream.indirect.gather [spmem:s2], $0x40, s24, s13, $0xb8;
	[tilespmem:$0x1F620] =	vst v63  }
0xca: {  	_ =	swait.ge [sflag:s19], $0x2000  }
0xcb: {  	[sflag:s19] =	ssyncset.done $0x0  }
0xcc: {  	s23 =	sadd.s32 $0x16990, s23;
	[sflag:s19] =	ssyncadd.s32 $0xFFFFE000  }
0xcd: {  	[spmem:s3] =	stream.indirect.scatter.add.f32 [tilespmem:s16], [sflag:$0x6], $0x40, s23, s13, $0xb8;
	[tilespmem:$0x1F620] =	vst v63  }
0xce: {  	_ =	swait.ge [sflag:s20], $0x2000  }
0xcf: {  	s22 =	sshra.s32 s22, $0x2;
	[sflag:s20] =	ssyncset.done $0x0  }
0xd0: {  	s24 =	sadd.s32 $0x14200, s22;
	[sflag:s20] =	ssyncadd.s32 $0xFFFFE000  }
0xd1: {  	[tilespmem:s15], [sflag:$0x2] =	stream.indirect.gather [spmem:s2], $0x40, s24, s13, $0xb8;
	[tilespmem:$0x1F620] =	vst v63  }
0xd2: {  	_ =	swait.ge [sflag:s5], $0x2000  }
0xd3: {  	[sflag:s5] =	ssyncset.done $0x0  }
0xd4: {  	s24 =	sadd.s32 $0x16890, s22;
	[sflag:s5] =	ssyncadd.s32 $0xFFFFE000  }
0xd5: {  	[spmem:s3] =	stream.indirect.scatter.add.f32 [tilespmem:s14], [sflag:$0x4], $0x40, s24, s13, $0xb8;
	[tilespmem:$0x1F620] =	vst v63  }
0xd6: {  	_ =	swait.ge [sflag:s21], $0x2000  }
0xd7: {  	[sflag:s21] =	ssyncset.done $0x0  }
0xd8: {  	s24 =	sadd.s32 $0x14280, s22;
	[sflag:s21] =	ssyncadd.s32 $0xFFFFE000  }
0xd9: {  	[tilespmem:s16], [sflag:$0x3] =	stream.indirect.gather [spmem:s2], $0x40, s24, s13, $0xb8;
	[tilespmem:$0x1F620] =	vst v63  }
0xda: {  	_ =	swait.ge [sflag:s17], $0x2000  }
0xdb: {  	[sflag:s17] =	ssyncset.done $0x0  }
0xdc: {  	s24 =	sadd.s32 $0x16910, s22;
	[sflag:s17] =	ssyncadd.s32 $0xFFFFE000  }
0xdd: {  	[spmem:s3] =	stream.indirect.scatter.add.f32 [tilespmem:s15], [sflag:$0x5], $0x40, s24, s13, $0xb8;
	[tilespmem:$0x1F620] =	vst v63  }
0xde: {  	_ =	swait.ge [sflag:s19], $0x2000  }
0xdf: {  	[sflag:s19] =	ssyncset.done $0x0  }
0xe0: {  	s22 =	sadd.s32 $0x16990, s22;
	[sflag:s19] =	ssyncadd.s32 $0xFFFFE000  }
0xe1: {  	[spmem:s3] =	stream.indirect.scatter.add.f32 [tilespmem:s16], [sflag:$0x6], $0x40, s22, s13, $0xb8;
	[tilespmem:$0x1F620] =	vst v63  }
0xe2: {  	_ =	swait.ge [sflag:s18], $0x2000  }
0xe3: {  	[sflag:s18] =	ssyncset.done $0x0  }
0xe4: {  	[sflag:s18] =	ssyncadd.s32 $0xFFFFE000  }
0xe5: {  	_ =	swait.ge [sflag:s20], $0x2000  }
0xe6: {  	[sflag:s20] =	ssyncset.done $0x0  }
0xe7: {  	[sflag:s20] =	ssyncadd.s32 $0xFFFFE000  }
0xe8: {  	_ =	swait.ge [sflag:s21], $0x2000  }
0xe9: {  	[sflag:s21] =	ssyncset.done $0x0  }
0xea: {  	s23 =	simm.s32 $0x16700;
	[sflag:s21] =	ssyncadd.s32 $0xFFFFE000  }
0xeb: {  	[tilespmem:s14], [sflag:$0x1] =	stream.indirect.gather [spmem:s2], $0x40, s23, s8, $0xb8;
	[tilespmem:$0x1F620] =	vst v63  }
0xec: {  	_ =	swait.ge [sflag:s5], $0x400  }
0xed: {  	[sflag:s5] =	ssyncset.done $0x0  }
0xee: {  	s24 =	simm.s32 $0x18E10;
	[sflag:s5] =	ssyncadd.s32 $0xFFFFFC00  }
0xef: {  	[spmem:s3] =	stream.indirect.scatter.add.f32 [tilespmem:s14], [sflag:$0x8], $0x40, s24, s8, $0xb8;
	[tilespmem:$0x1F620] =	vst v63  }
0xf0: {  	_ =	swait.ge [sflag:s7], $0x400  }
0xf1: {  	s4 =	sadd.s32 $0x1, s4;
	[sflag:s7] =	ssyncset.done $0x0  }
0xf2: {  	p0 =	sne.s32 s4, s30;
	s23 =	sor.u32 $0x1C08, s1;
	[sflag:s7] =	ssyncadd.s32 $0xFFFFFC00  }
.Ltmp2:
0xf3: {  	s24 =	sshrl.u32 s6, $0x3;
	[bflag:$0x0] =	sbarrier.arrive $0xFFFF;
	(pc) =	sbr.rel @p0 .LBB2_1-.Ltmp2, $4  }
0xf4: {  	[hbm:s29@s8], [sflag:s23] =	dma.strided [spmem:s24@s7], $0x1400, s5, $0x8   }
0xf5: {  	_ =	swait.ge [sflag:s7], $0x1400  }
0xf6: {  	[sflag:s7] =	ssyncset.done $0x0  }
0xf7: {  	[sflag:s7] =	ssyncadd.s32 $0xFFFFEC00  }
0xf8: {  	_ =	sfence.sel $0x180000  }
0xf9: {  	[bflag:$0x0] =	sbarrier.arrive $0xFFFF  }
0xfa: {  	_ =	strace $0x9000004A  }
0xfb: {  	s0 =	stileid.u32;
	[bflag:$0x2] =	sbarrier.arrive $0xFFFF  }
0xfc: {  	p0 =	sne.s32 s0, $0x0;
	s0 =	rddreg [dreg:$0x4]  }
0xfd: {  	s0 =	sadd.s32 @!p0 $0x100000, s0  }
0xfe: {  	[sflag:s0] =	ssyncadd.tile.s32 @!p0 $0x1;
	_ =	shalt  }
.Lfunc_end2:
_tile_overlayer_lowered:
.L_overlay_start_2:
0xff: {  	(tag) =	ssettag $0x2  }
0x100: {  	s0 =	rddreg [dreg:$0x0];
	s2 =	stileid.u32  }
0x101: {  	s1 =	rddreg [dreg:$0x1];
	p0 =	sne.s32 s2, $0x0  }
0x102: {  	s3 =	rddreg [dreg:$0x2];
	[bflag:$0x3] =	sbarrier.arrive $0xFFFF;
	s2 =	simm.s32 @!p0 $0x1C08  }
0x103: {  	[timem:s3], [sflag:s2] =	dma.local @!p0 [hbm:s0], s1  }
0x104: {  	s0 =	simm.s32 @!p0 $0x8  }
0x105: {  	_ =	swait.ge @!p0 [sflag:s0], s1  }
0x106: {  	s1 =	ssub.s32 @!p0 $0x0, s1;
	[sflag:s0] =	ssyncset.done @!p0 $0x0  }
0x107: {  	[sflag:s0] =	ssyncadd.s32 @!p0 s1  }
0x108: {  	[bflag:$0x3] =	sbarrier.arrive $0xFFFF  }
0x109: {  	_ =	shalt  }

</sc_bundles>
